<compile_context>
chip_gen: v7x
topology: tpu7x:2x2x1
jax: 0.10.2.dev20260603
libtpu: 0.0.44.dev20260713+nightly
codegen_flags: <defaults>
</compile_context>

<pallas_src>
import functools

import jax
import jax.numpy as jnp
import numpy as np
from jax import lax
from jax.experimental import pallas as pl
from jax.experimental.pallas import tpu as pltpu
from jax.experimental.pallas import tpu_sc as plsc

_EPS = 0.001
_TOPK = 128
_INT_MIN = np.int32(-2147483648)
_INT_MAX = np.int32(2147483647)


def _ordered_key(x):
    u = jax.lax.bitcast_convert_type(x, jnp.int32)
    return jnp.where(u >= 0, u, jnp.bitwise_xor(jnp.bitwise_not(u), _INT_MIN))


def _key_to_f32(k):
    u = jnp.where(k >= 0, k, jnp.bitwise_not(jnp.bitwise_xor(k, _INT_MIN)))
    return jax.lax.bitcast_convert_type(u, jnp.float32)


def _select_cutoff_key(key):

    def body(_, lohi):
        lo, hi = lohi
        mid = (lo >> 1) + (hi >> 1) + (lo & hi & 1)
        cnt = jnp.sum((key > mid).astype(jnp.int32))
        take_hi = cnt <= _TOPK
        return (jnp.where(take_hi, lo, mid + 1), jnp.where(take_hi, mid, hi))

    lo, _ = jax.lax.fori_loop(0, 32, body, (_INT_MIN, _INT_MAX))
    return lo




def _make_scores_body(B, L, D, NL):
    dc = D // (2 * NL)
    lc = L // (2 * NL)

    def _body(q0_ref, q1_ref, k0_ref, k1_ref, sc_ref, cut_ref, oz_ref, acc_ref):
        s = pl.program_id(0)
        n = pl.program_id(1)
        par = s % 2
        par1 = (s + 1) % 2

        for p in (0, 1):
            @pl.when(jnp.logical_and(s < B, par == p))
            def _(p=p):
                ones = jnp.ones((1, L), jnp.float32)
                for h, q_ref in ((0, q0_ref), (1, q1_ref)):
                    qp = jax.nn.relu(q_ref[0]) + _EPS
                    col = jax.lax.dot_general(
                        ones, qp, (((1,), (0,)), ((), ())),
                        preferred_element_type=jnp.float32)
                    acc_ref[p, :, pl.ds((2 * n + h) * dc, dc)] = col

        for p in (0, 1):
            @pl.when(jnp.logical_and(s >= 1, par1 == p))
            def _(p=p):
                for h, k_ref in ((0, k0_ref), (1, k1_ref)):
                    kp = jax.nn.relu(k_ref[0]) + _EPS
                    sv = jax.lax.dot_general(
                        acc_ref[p], kp, (((1,), (1,)), ((), ())),
                        preferred_element_type=jnp.float32)
                    sc_ref[0, :, pl.ds((2 * n + h) * lc, lc)] = sv

        @pl.when(s >= 1)
        def _():
            oz_ref[...] = jnp.zeros_like(oz_ref)

        @pl.when(jnp.logical_and(s >= 1, n == NL - 1))
        def _():
            key = _ordered_key(sc_ref[0])
            cut = _select_cutoff_key(key)
            cut_ref[...] = jnp.full(cut_ref.shape, _key_to_f32(cut))

    return _body


def _scores_and_cutoff(queries, keys):
    B, L, D = queries.shape
    NL = 2
    dc = D // (2 * NL)
    lc = L // (2 * NL)

    def q_idx(h):
        def f(s, n):
            return (jnp.minimum(s, B - 1), 0,
                    jnp.where(s < B, 2 * n + h, 2 * NL - 2 + h))
        return f

    def k_idx(h):
        def f(s, n):
            b = jnp.clip(s - 1, 0, B - 1)
            c = jnp.where(s < 1, h, 2 * n + h)
            return (b, c, 0)
        return f

    def o_idx(s, n):
        return (jnp.clip(s - 1, 0, B - 1), 0, 0)

    def oz_idx(s, n):
        return (jnp.clip(s - 1, 0, B - 1), jnp.where(s < 1, 0, n), 0)

    lz = L // NL
    return pl.pallas_call(
        _make_scores_body(B, L, D, NL),
        grid=(B + 1, NL),
        in_specs=[
            pl.BlockSpec((1, L, dc), q_idx(0)),
            pl.BlockSpec((1, L, dc), q_idx(1)),
            pl.BlockSpec((1, lc, D), k_idx(0)),
            pl.BlockSpec((1, lc, D), k_idx(1)),
        ],
        out_specs=[
            pl.BlockSpec((1, 1, L), o_idx),
            pl.BlockSpec((1, 1, 128), o_idx),
            pl.BlockSpec((1, lz, D), oz_idx),
        ],
        out_shape=[
            jax.ShapeDtypeStruct((B, 1, L), jnp.float32),
            jax.ShapeDtypeStruct((B, 1, 128), jnp.float32),
            jax.ShapeDtypeStruct((B, L, D), jnp.float32),
        ],
        scratch_shapes=[
            pltpu.VMEM((2, 1, D), jnp.float32),
        ],
    )(queries, queries, keys, keys)



_ZROWS = 8
_GMAX = 8


def _sc_route(scores, cut, values, out_zeroed, L, D):
    R = L // 8
    ng = R // 16
    mesh = plsc.VectorSubcoreMesh(core_axis_name="c", subcore_axis_name="s")

    def stateful(refs):
        sc_hbm, cut_hbm, v_hbm, out_hbm = refs

        @pl.core_map(
            mesh,
            compiler_params=pltpu.CompilerParams(needs_layout_passes=False),
            scratch_shapes=[
                pltpu.VMEM((R,), jnp.float32),
                pltpu.VMEM((16,), jnp.float32),
                pltpu.VMEM((_TOPK,), jnp.int32),
                pltpu.VMEM((16, D), jnp.float32),
                pltpu.SemaphoreType.DMA,
            ],
        )
        def _(svmem, cutv, idxbuf, rowbuf, gsem):
            cid = lax.axis_index("c")
            sid = lax.axis_index("s")
            wid = cid * 16 + sid
            b = wid // 8
            g0 = b * L + (wid % 8) * R

            pltpu.sync_copy(sc_hbm.at[pl.ds(g0, R)], svmem)
            pltpu.sync_copy(cut_hbm.at[pl.ds(b * 128, 16)], cutv)

            iota16 = lax.broadcasted_iota(jnp.int32, (16,), 0)

            off = jnp.zeros((16,), jnp.int32)
            for i in range(ng):
                cond = svmem[pl.ds(i * 16, 16)] > cutv[...]
                gidx = iota16 + (g0 + i * 16)
                ci = cond.astype(jnp.int32)
                pos = off + plsc.cumsum(ci) - ci
                plsc.store_scatter(idxbuf, [pos], gidx, mask=cond)
                off = off + plsc.all_reduce_population_count(cond)

            vec0 = idxbuf[pl.ds(0, 16)]
            fs16 = vec0.at[jnp.zeros((16,), jnp.int32)].get(
                mode="promise_in_bounds")
            for k in range(_GMAX):
                pos = off + iota16 + 16 * k
                plsc.store_scatter(idxbuf, [pos], fs16, mask=pos < _TOPK)
            nsel = off[0]

            for j in range(_GMAX):
                @pl.when(j * 16 < nsel)
                def _(j=j):
                    idxv = idxbuf[pl.ds(j * 16, 16)]
                    pltpu.async_copy(v_hbm.at[idxv], rowbuf, gsem).wait()
                    pltpu.async_copy(rowbuf, out_hbm.at[idxv], gsem).wait()

    _, _, _, out = pl.run_state(stateful)((scores, cut, values, out_zeroed))
    return out


def kernel(queries, keys, values):
    B, L, D = queries.shape
    scores, cut, out_zeroed = _scores_and_cutoff(queries, keys)
    out = _sc_route(
        scores.reshape(B * L), cut.reshape(B * 128),
        values.reshape(B * L, D), out_zeroed.reshape(B * L, D), L, D)
    return out.reshape(B, L, D)

# --- scband reference (transcript-rebuilt; emitter-appended) ---
"""Pipeline reference for scband-favor-masking-attention-11716670783497 (READ-ONLY COPY).

The authoritative reference and input builder live on the scoring server;
editing this copy changes nothing except your own understanding.
"""

import jax, jax.numpy as jnp
import numpy as np

TOP_K = 128
NUMERICAL_STABILIZER = 0.001


def relu_kernel_transformation(data, is_query):
    # Performer ReLU kernel feature map (no random projection matrix):
    # relu(data) + numerical_stabilizer. `is_query` is unused in this variant.
    del is_query
    return jax.nn.relu(data) + NUMERICAL_STABILIZER


def setup_inputs(seed: int = 0) -> dict:
    key = jax.random.key(seed)
    k1, k2, k3 = jax.random.split(key, 3)
    B, L, D = 4, 2048, 1024
    queries = jax.random.normal(k1, (B, L, D), dtype=jnp.float32)
    keys = jax.random.normal(k2, (B, L, D), dtype=jnp.float32)
    values = jax.random.normal(k3, (B, L, D), dtype=jnp.float32)
    return {"queries": queries, "keys": keys, "values": values}


def reference(queries, keys, values):
    # kernel transformation applied with an expanded head axis, then squeezed
    queries_prime = relu_kernel_transformation(queries[:, :, None, :], True)
    queries_prime = jnp.squeeze(queries_prime, axis=2)  # [B, L, D]
    keys_prime = relu_kernel_transformation(keys[:, :, None, :], False)
    keys_prime = jnp.squeeze(keys_prime, axis=2)  # [B, L, D]
    B, length, D = queries_prime.shape
    # all_ones [1, L] @ queries_prime [B, L, D] -> [B, 1, D] (column sums)
    all_ones = jnp.ones((1, length), dtype=queries_prime.dtype)
    reduced_queries_prime = jnp.einsum('ol,bld->bod', all_ones, queries_prime)
    # scores = reduced @ keys_prime^T -> [B, 1, L]
    scores = jnp.einsum('bod,bld->bol', reduced_queries_prime, keys_prime)
    scores = scores.reshape(-1, length)  # [B, L]
    # descending argsort, take the (top_k)-th score as cutoff
    sorted_idxs = jnp.argsort(-scores, axis=-1)
    cutoff_idx = sorted_idxs[:, TOP_K]  # [B]
    cutoff = jnp.take_along_axis(scores, cutoff_idx[:, None], axis=1)[:, 0]  # [B]
    cond = scores > cutoff[:, None]  # [B, L]
    return jnp.where(cond[..., None], values, jnp.zeros_like(values))

if __name__ == "__main__":
    import jax
    _d = setup_inputs()
    print(jax.jit(kernel)(*tuple(_d.values())))

</pallas_src>

<mosaic_0001>
#map = affine_map<(d0, d1) -> (0)>
#map1 = affine_map<(d0, d1) -> (0, 0)>
module attributes {stable_mosaic.version = 14 : i64} {
  func.func @_(%arg0: i32, %arg1: i32, %arg2: memref<8192xf32, #tpu.memory_space<hbm>>, %arg3: memref<512xf32, #tpu.memory_space<hbm>>, %arg4: memref<8192x1024xf32, #tpu.memory_space<hbm>>, %arg5: memref<8192x1024xf32, #tpu.memory_space<hbm>>, %arg6: memref<8192x1024xf32, #tpu.memory_space<hbm>>, %arg7: memref<256xf32, #tpu.memory_space<vmem>>, %arg8: memref<16xf32, #tpu.memory_space<vmem>>, %arg9: memref<128xi32, #tpu.memory_space<vmem>>, %arg10: memref<16x1024xf32, #tpu.memory_space<vmem>>, %arg11: memref<!tpu.dma_semaphore, #tpu.memory_space<semaphore_mem>>) attributes {dimension_semantics = [#tpu.dimension_semantics<core_parallel>, #tpu.dimension_semantics<subcore_parallel>], iteration_bounds = array<i64: 2, 16>, scalar_prefetch = 0 : i64, scratch_operands = 5 : i64, tpu.core_type = #tpu.core_type<sc_vector_subcore>, window_params = [{transform_indices = #map}, {transform_indices = #map}, {transform_indices = #map1}, {transform_indices = #map1}, {transform_indices = #map1}]} {
    %mul3A = arith.constant 16 : i32
    %mul3A_0 = arith.muli %arg0, %mul3A : i32
    %add3A = arith.addi %mul3A_0, %arg1 : i32
    %jit3A = arith.constant 8 : i32
    %div3A = arith.divsi %add3A, %jit3A : i32
    %sign3A = arith.constant 0 : i32
    %sign3A_1 = arith.cmpi sgt, %add3A, %sign3A : i32
    %sign3A_2 = arith.extui %sign3A_1 : i1 to i32
    %sign3A_3 = arith.constant 0 : i32
    %sign3A_4 = arith.cmpi slt, %add3A, %sign3A_3 : i32
    %sign3A_5 = arith.extui %sign3A_4 : i1 to i32
    %sign3A_6 = arith.subi %sign3A_2, %sign3A_5 : i32
    %sign3A_7 = arith.constant 0 : i32
    %sign3A_8 = arith.cmpi sgt, %jit3A, %sign3A_7 : i32
    %sign3A_9 = arith.extui %sign3A_8 : i1 to i32
    %sign3A_10 = arith.constant 0 : i32
    %sign3A_11 = arith.cmpi slt, %jit3A, %sign3A_10 : i32
    %sign3A_12 = arith.extui %sign3A_11 : i1 to i32
    %sign3A_13 = arith.subi %sign3A_9, %sign3A_12 : i32
    %ne3A = arith.cmpi ne, %sign3A_6, %sign3A_13 : i32
    %rem3A = arith.remsi %add3A, %jit3A : i32
    %ne3A_14 = arith.constant 0 : i32
    %ne3A_15 = arith.cmpi ne, %rem3A, %ne3A_14 : i32
    %and3A = arith.andi %ne3A, %ne3A_15 : i1
    %sub3A = arith.constant 1 : i32
    %sub3A_16 = arith.subi %div3A, %sub3A : i32
    %select_n3A = arith.select %and3A, %sub3A_16, %div3A : i32
    %mul3A_17 = arith.constant 2048 : i32
    %mul3A_18 = arith.muli %select_n3A, %mul3A_17 : i32
    %jit3A_19 = arith.constant 8 : i32
    %eq3A = arith.constant 0 : i32
    %eq3A_20 = arith.cmpi eq, %jit3A_19, %eq3A : i32
    %jit3A_21 = arith.constant 1 : i32
    %select_n3A_22 = arith.select %eq3A_20, %jit3A_21, %jit3A_19 : i32
    %rem3A_23 = arith.remsi %add3A, %select_n3A_22 : i32
    %ne3A_24 = arith.constant 0 : i32
    %ne3A_25 = arith.cmpi ne, %rem3A_23, %ne3A_24 : i32
    %lt3A = arith.constant 0 : i32
    %lt3A_26 = arith.cmpi slt, %rem3A_23, %lt3A : i32
    %lt3A_27 = arith.constant 0 : i32
    %lt3A_28 = arith.cmpi slt, %select_n3A_22, %lt3A_27 : i32
    %ne3A_29 = arith.xori %lt3A_26, %lt3A_28 : i1
    %and3A_30 = arith.andi %ne3A_29, %ne3A_25 : i1
    %add3A_31 = arith.addi %rem3A_23, %select_n3A_22 : i32
    %select_n3A_32 = arith.select %and3A_30, %add3A_31, %rem3A_23 : i32
    %mul3A_33 = arith.constant 256 : i32
    %mul3A_34 = arith.muli %select_n3A_32, %mul3A_33 : i32
    %add3A_35 = arith.addi %mul3A_18, %mul3A_34 : i32
    "tpu.region"() ({
      %run_scoped3A = tpu.sem_alloc : memref<!tpu.dma_semaphore, #tpu.memory_space<semaphore_mem>>
      %dma_start3A = tpu.memref_slice %arg2[%add3A_35] : memref<8192xf32, #tpu.memory_space<hbm>> -> memref<256xf32, #tpu.memory_space<hbm>>
      %dma_start3A_414 = tpu.memref_slice %arg2[%add3A_35] : memref<8192xf32, #tpu.memory_space<hbm>> -> memref<256xf32, #tpu.memory_space<hbm>>
      tpu.enqueue_dma source(%dma_start3A_414 : memref<256xf32, #tpu.memory_space<hbm>>) target(%arg7 : memref<256xf32, #tpu.memory_space<vmem>>) target_semaphore(%run_scoped3A : memref<!tpu.dma_semaphore, #tpu.memory_space<semaphore_mem>>)
      %dma_wait3A = tpu.memref_slice %arg2[%add3A_35] : memref<8192xf32, #tpu.memory_space<hbm>> -> memref<256xf32, #tpu.memory_space<hbm>>
      %dma_wait3A_415 = tpu.memref_slice %arg2[%add3A_35] : memref<8192xf32, #tpu.memory_space<hbm>> -> memref<256xf32, #tpu.memory_space<hbm>>
      tpu.wait_dma2 semaphore(%run_scoped3A : memref<!tpu.dma_semaphore, #tpu.memory_space<semaphore_mem>>) src(%dma_wait3A_415 : memref<256xf32, #tpu.memory_space<hbm>>) dst(%arg7 : memref<256xf32, #tpu.memory_space<vmem>>)
      tpu.yield
    }) : () -> ()
    %mul3A_36 = arith.constant 128 : i32
    %mul3A_37 = arith.muli %select_n3A, %mul3A_36 : i32
    "tpu.region"() ({
      %run_scoped3A = tpu.sem_alloc : memref<!tpu.dma_semaphore, #tpu.memory_space<semaphore_mem>>
      %dma_start3A = tpu.memref_slice %arg3[%mul3A_37] : memref<512xf32, #tpu.memory_space<hbm>> -> memref<16xf32, #tpu.memory_space<hbm>>
      %dma_start3A_414 = tpu.memref_slice %arg3[%mul3A_37] : memref<512xf32, #tpu.memory_space<hbm>> -> memref<16xf32, #tpu.memory_space<hbm>>
      tpu.enqueue_dma source(%dma_start3A_414 : memref<16xf32, #tpu.memory_space<hbm>>) target(%arg8 : memref<16xf32, #tpu.memory_space<vmem>>) target_semaphore(%run_scoped3A : memref<!tpu.dma_semaphore, #tpu.memory_space<semaphore_mem>>)
      %dma_wait3A = tpu.memref_slice %arg3[%mul3A_37] : memref<512xf32, #tpu.memory_space<hbm>> -> memref<16xf32, #tpu.memory_space<hbm>>
      %dma_wait3A_415 = tpu.memref_slice %arg3[%mul3A_37] : memref<512xf32, #tpu.memory_space<hbm>> -> memref<16xf32, #tpu.memory_space<hbm>>
      tpu.wait_dma2 semaphore(%run_scoped3A : memref<!tpu.dma_semaphore, #tpu.memory_space<semaphore_mem>>) src(%dma_wait3A_415 : memref<16xf32, #tpu.memory_space<hbm>>) dst(%arg8 : memref<16xf32, #tpu.memory_space<vmem>>)
      tpu.yield
    }) : () -> ()
    %iota3A = tpu.iota {dimensions = array<i32: 0>} : vector<16xi32>
    %broadcast_in_dim3A = arith.constant 0 : i32
    %broadcast_in_dim3A_38 = vector.broadcast %broadcast_in_dim3A : i32 to vector<16xi32>
    %get3A = arith.constant 0 : index
    %get3A_39 = tpu.vector_load %arg7[%get3A] {strides = array<i32>} : memref<256xf32, #tpu.memory_space<vmem>>, vector<16xf32>,
    %get3A_40 = arith.constant 0 : index
    %get3A_41 = tpu.vector_load %arg8[%get3A_40] {strides = array<i32>} : memref<16xf32, #tpu.memory_space<vmem>>, vector<16xf32>,
    %gt3A = arith.cmpf ogt, %get3A_39, %get3A_41 : vector<16xf32>
    %add3A_42 = arith.constant 0 : i32
    %add3A_43 = arith.addi %add3A_35, %add3A_42 : i32
    %add3A_44 = vector.broadcast %add3A_43 : i32 to vector<16xi32>
    %add3A_45 = arith.addi %iota3A, %add3A_44 : vector<16xi32>
    %convert_element_type3A = arith.extui %gt3A : vector<16xi1> to vector<16xi32>
    %broadcast_in_dim3A_46 = arith.constant true
    %broadcast_in_dim3A_47 = vector.broadcast %broadcast_in_dim3A_46 : i1 to vector<16xi1>
    %masked_cumsum3A = tpu.scan <sum>, %convert_element_type3A masked %broadcast_in_dim3A_47 : vector<16xi32>, vector<16xi1> -> vector<16xi32>
    %add3A_48 = arith.addi %broadcast_in_dim3A_38, %masked_cumsum3A : vector<16xi32>
    %sub3A_49 = arith.subi %add3A_48, %convert_element_type3A : vector<16xi32>
    tpu.vector_store_idx %arg9[%sub3A_49], %add3A_45 masked %gt3A : memref<128xi32, #tpu.memory_space<vmem>>[vector<16xi32>], vector<16xi32>, vector<16xi1>
    %all_reduce_population_count3A = tpu.all_reduce %gt3A {dim = 0 : i64, kind = #tpu.reduction_kind<sum>} : vector<16xi1> -> vector<16xi32>
    %add3A_50 = arith.addi %broadcast_in_dim3A_38, %all_reduce_population_count3A : vector<16xi32>
    %get3A_51 = arith.constant 16 : index
    %get3A_52 = tpu.vector_load %arg7[%get3A_51] {strides = array<i32>} : memref<256xf32, #tpu.memory_space<vmem>>, vector<16xf32>,
    %get3A_53 = arith.constant 0 : index
    %get3A_54 = tpu.vector_load %arg8[%get3A_53] {strides = array<i32>} : memref<16xf32, #tpu.memory_space<vmem>>, vector<16xf32>,
    %gt3A_55 = arith.cmpf ogt, %get3A_52, %get3A_54 : vector<16xf32>
    %add3A_56 = arith.constant 16 : i32
    %add3A_57 = arith.addi %add3A_35, %add3A_56 : i32
    %add3A_58 = vector.broadcast %add3A_57 : i32 to vector<16xi32>
    %add3A_59 = arith.addi %iota3A, %add3A_58 : vector<16xi32>
    %convert_element_type3A_60 = arith.extui %gt3A_55 : vector<16xi1> to vector<16xi32>
    %broadcast_in_dim3A_61 = arith.constant true
    %broadcast_in_dim3A_62 = vector.broadcast %broadcast_in_dim3A_61 : i1 to vector<16xi1>
    %masked_cumsum3A_63 = tpu.scan <sum>, %convert_element_type3A_60 masked %broadcast_in_dim3A_62 : vector<16xi32>, vector<16xi1> -> vector<16xi32>
    %add3A_64 = arith.addi %add3A_50, %masked_cumsum3A_63 : vector<16xi32>
    %sub3A_65 = arith.subi %add3A_64, %convert_element_type3A_60 : vector<16xi32>
    tpu.vector_store_idx %arg9[%sub3A_65], %add3A_59 masked %gt3A_55 : memref<128xi32, #tpu.memory_space<vmem>>[vector<16xi32>], vector<16xi32>, vector<16xi1>
    %all_reduce_population_count3A_66 = tpu.all_reduce %gt3A_55 {dim = 0 : i64, kind = #tpu.reduction_kind<sum>} : vector<16xi1> -> vector<16xi32>
    %add3A_67 = arith.addi %add3A_50, %all_reduce_population_count3A_66 : vector<16xi32>
    %get3A_68 = arith.constant 32 : index
    %get3A_69 = tpu.vector_load %arg7[%get3A_68] {strides = array<i32>} : memref<256xf32, #tpu.memory_space<vmem>>, vector<16xf32>,
    %get3A_70 = arith.constant 0 : index
    %get3A_71 = tpu.vector_load %arg8[%get3A_70] {strides = array<i32>} : memref<16xf32, #tpu.memory_space<vmem>>, vector<16xf32>,
    %gt3A_72 = arith.cmpf ogt, %get3A_69, %get3A_71 : vector<16xf32>
    %add3A_73 = arith.constant 32 : i32
    %add3A_74 = arith.addi %add3A_35, %add3A_73 : i32
    %add3A_75 = vector.broadcast %add3A_74 : i32 to vector<16xi32>
    %add3A_76 = arith.addi %iota3A, %add3A_75 : vector<16xi32>
    %convert_element_type3A_77 = arith.extui %gt3A_72 : vector<16xi1> to vector<16xi32>
    %broadcast_in_dim3A_78 = arith.constant true
    %broadcast_in_dim3A_79 = vector.broadcast %broadcast_in_dim3A_78 : i1 to vector<16xi1>
    %masked_cumsum3A_80 = tpu.scan <sum>, %convert_element_type3A_77 masked %broadcast_in_dim3A_79 : vector<16xi32>, vector<16xi1> -> vector<16xi32>
    %add3A_81 = arith.addi %add3A_67, %masked_cumsum3A_80 : vector<16xi32>
    %sub3A_82 = arith.subi %add3A_81, %convert_element_type3A_77 : vector<16xi32>
    tpu.vector_store_idx %arg9[%sub3A_82], %add3A_76 masked %gt3A_72 : memref<128xi32, #tpu.memory_space<vmem>>[vector<16xi32>], vector<16xi32>, vector<16xi1>
    %all_reduce_population_count3A_83 = tpu.all_reduce %gt3A_72 {dim = 0 : i64, kind = #tpu.reduction_kind<sum>} : vector<16xi1> -> vector<16xi32>
    %add3A_84 = arith.addi %add3A_67, %all_reduce_population_count3A_83 : vector<16xi32>
    %get3A_85 = arith.constant 48 : index
    %get3A_86 = tpu.vector_load %arg7[%get3A_85] {strides = array<i32>} : memref<256xf32, #tpu.memory_space<vmem>>, vector<16xf32>,
    %get3A_87 = arith.constant 0 : index
    %get3A_88 = tpu.vector_load %arg8[%get3A_87] {strides = array<i32>} : memref<16xf32, #tpu.memory_space<vmem>>, vector<16xf32>,
    %gt3A_89 = arith.cmpf ogt, %get3A_86, %get3A_88 : vector<16xf32>
    %add3A_90 = arith.constant 48 : i32
    %add3A_91 = arith.addi %add3A_35, %add3A_90 : i32
    %add3A_92 = vector.broadcast %add3A_91 : i32 to vector<16xi32>
    %add3A_93 = arith.addi %iota3A, %add3A_92 : vector<16xi32>
    %convert_element_type3A_94 = arith.extui %gt3A_89 : vector<16xi1> to vector<16xi32>
    %broadcast_in_dim3A_95 = arith.constant true
    %broadcast_in_dim3A_96 = vector.broadcast %broadcast_in_dim3A_95 : i1 to vector<16xi1>
    %masked_cumsum3A_97 = tpu.scan <sum>, %convert_element_type3A_94 masked %broadcast_in_dim3A_96 : vector<16xi32>, vector<16xi1> -> vector<16xi32>
    %add3A_98 = arith.addi %add3A_84, %masked_cumsum3A_97 : vector<16xi32>
    %sub3A_99 = arith.subi %add3A_98, %convert_element_type3A_94 : vector<16xi32>
    tpu.vector_store_idx %arg9[%sub3A_99], %add3A_93 masked %gt3A_89 : memref<128xi32, #tpu.memory_space<vmem>>[vector<16xi32>], vector<16xi32>, vector<16xi1>
    %all_reduce_population_count3A_100 = tpu.all_reduce %gt3A_89 {dim = 0 : i64, kind = #tpu.reduction_kind<sum>} : vector<16xi1> -> vector<16xi32>
    %add3A_101 = arith.addi %add3A_84, %all_reduce_population_count3A_100 : vector<16xi32>
    %get3A_102 = arith.constant 64 : index
    %get3A_103 = tpu.vector_load %arg7[%get3A_102] {strides = array<i32>} : memref<256xf32, #tpu.memory_space<vmem>>, vector<16xf32>,
    %get3A_104 = arith.constant 0 : index
    %get3A_105 = tpu.vector_load %arg8[%get3A_104] {strides = array<i32>} : memref<16xf32, #tpu.memory_space<vmem>>, vector<16xf32>,
    %gt3A_106 = arith.cmpf ogt, %get3A_103, %get3A_105 : vector<16xf32>
    %add3A_107 = arith.constant 64 : i32
    %add3A_108 = arith.addi %add3A_35, %add3A_107 : i32
    %add3A_109 = vector.broadcast %add3A_108 : i32 to vector<16xi32>
    %add3A_110 = arith.addi %iota3A, %add3A_109 : vector<16xi32>
    %convert_element_type3A_111 = arith.extui %gt3A_106 : vector<16xi1> to vector<16xi32>
    %broadcast_in_dim3A_112 = arith.constant true
    %broadcast_in_dim3A_113 = vector.broadcast %broadcast_in_dim3A_112 : i1 to vector<16xi1>
    %masked_cumsum3A_114 = tpu.scan <sum>, %convert_element_type3A_111 masked %broadcast_in_dim3A_113 : vector<16xi32>, vector<16xi1> -> vector<16xi32>
    %add3A_115 = arith.addi %add3A_101, %masked_cumsum3A_114 : vector<16xi32>
    %sub3A_116 = arith.subi %add3A_115, %convert_element_type3A_111 : vector<16xi32>
    tpu.vector_store_idx %arg9[%sub3A_116], %add3A_110 masked %gt3A_106 : memref<128xi32, #tpu.memory_space<vmem>>[vector<16xi32>], vector<16xi32>, vector<16xi1>
    %all_reduce_population_count3A_117 = tpu.all_reduce %gt3A_106 {dim = 0 : i64, kind = #tpu.reduction_kind<sum>} : vector<16xi1> -> vector<16xi32>
    %add3A_118 = arith.addi %add3A_101, %all_reduce_population_count3A_117 : vector<16xi32>
    %get3A_119 = arith.constant 80 : index
    %get3A_120 = tpu.vector_load %arg7[%get3A_119] {strides = array<i32>} : memref<256xf32, #tpu.memory_space<vmem>>, vector<16xf32>,
    %get3A_121 = arith.constant 0 : index
    %get3A_122 = tpu.vector_load %arg8[%get3A_121] {strides = array<i32>} : memref<16xf32, #tpu.memory_space<vmem>>, vector<16xf32>,
    %gt3A_123 = arith.cmpf ogt, %get3A_120, %get3A_122 : vector<16xf32>
    %add3A_124 = arith.constant 80 : i32
    %add3A_125 = arith.addi %add3A_35, %add3A_124 : i32
    %add3A_126 = vector.broadcast %add3A_125 : i32 to vector<16xi32>
    %add3A_127 = arith.addi %iota3A, %add3A_126 : vector<16xi32>
    %convert_element_type3A_128 = arith.extui %gt3A_123 : vector<16xi1> to vector<16xi32>
    %broadcast_in_dim3A_129 = arith.constant true
    %broadcast_in_dim3A_130 = vector.broadcast %broadcast_in_dim3A_129 : i1 to vector<16xi1>
    %masked_cumsum3A_131 = tpu.scan <sum>, %convert_element_type3A_128 masked %broadcast_in_dim3A_130 : vector<16xi32>, vector<16xi1> -> vector<16xi32>
    %add3A_132 = arith.addi %add3A_118, %masked_cumsum3A_131 : vector<16xi32>
    %sub3A_133 = arith.subi %add3A_132, %convert_element_type3A_128 : vector<16xi32>
    tpu.vector_store_idx %arg9[%sub3A_133], %add3A_127 masked %gt3A_123 : memref<128xi32, #tpu.memory_space<vmem>>[vector<16xi32>], vector<16xi32>, vector<16xi1>
    %all_reduce_population_count3A_134 = tpu.all_reduce %gt3A_123 {dim = 0 : i64, kind = #tpu.reduction_kind<sum>} : vector<16xi1> -> vector<16xi32>
    %add3A_135 = arith.addi %add3A_118, %all_reduce_population_count3A_134 : vector<16xi32>
    %get3A_136 = arith.constant 96 : index
    %get3A_137 = tpu.vector_load %arg7[%get3A_136] {strides = array<i32>} : memref<256xf32, #tpu.memory_space<vmem>>, vector<16xf32>,
    %get3A_138 = arith.constant 0 : index
    %get3A_139 = tpu.vector_load %arg8[%get3A_138] {strides = array<i32>} : memref<16xf32, #tpu.memory_space<vmem>>, vector<16xf32>,
    %gt3A_140 = arith.cmpf ogt, %get3A_137, %get3A_139 : vector<16xf32>
    %add3A_141 = arith.constant 96 : i32
    %add3A_142 = arith.addi %add3A_35, %add3A_141 : i32
    %add3A_143 = vector.broadcast %add3A_142 : i32 to vector<16xi32>
    %add3A_144 = arith.addi %iota3A, %add3A_143 : vector<16xi32>
    %convert_element_type3A_145 = arith.extui %gt3A_140 : vector<16xi1> to vector<16xi32>
    %broadcast_in_dim3A_146 = arith.constant true
    %broadcast_in_dim3A_147 = vector.broadcast %broadcast_in_dim3A_146 : i1 to vector<16xi1>
    %masked_cumsum3A_148 = tpu.scan <sum>, %convert_element_type3A_145 masked %broadcast_in_dim3A_147 : vector<16xi32>, vector<16xi1> -> vector<16xi32>
    %add3A_149 = arith.addi %add3A_135, %masked_cumsum3A_148 : vector<16xi32>
    %sub3A_150 = arith.subi %add3A_149, %convert_element_type3A_145 : vector<16xi32>
    tpu.vector_store_idx %arg9[%sub3A_150], %add3A_144 masked %gt3A_140 : memref<128xi32, #tpu.memory_space<vmem>>[vector<16xi32>], vector<16xi32>, vector<16xi1>
    %all_reduce_population_count3A_151 = tpu.all_reduce %gt3A_140 {dim = 0 : i64, kind = #tpu.reduction_kind<sum>} : vector<16xi1> -> vector<16xi32>
    %add3A_152 = arith.addi %add3A_135, %all_reduce_population_count3A_151 : vector<16xi32>
    %get3A_153 = arith.constant 112 : index
    %get3A_154 = tpu.vector_load %arg7[%get3A_153] {strides = array<i32>} : memref<256xf32, #tpu.memory_space<vmem>>, vector<16xf32>,
    %get3A_155 = arith.constant 0 : index
    %get3A_156 = tpu.vector_load %arg8[%get3A_155] {strides = array<i32>} : memref<16xf32, #tpu.memory_space<vmem>>, vector<16xf32>,
    %gt3A_157 = arith.cmpf ogt, %get3A_154, %get3A_156 : vector<16xf32>
    %add3A_158 = arith.constant 112 : i32
    %add3A_159 = arith.addi %add3A_35, %add3A_158 : i32
    %add3A_160 = vector.broadcast %add3A_159 : i32 to vector<16xi32>
    %add3A_161 = arith.addi %iota3A, %add3A_160 : vector<16xi32>
    %convert_element_type3A_162 = arith.extui %gt3A_157 : vector<16xi1> to vector<16xi32>
    %broadcast_in_dim3A_163 = arith.constant true
    %broadcast_in_dim3A_164 = vector.broadcast %broadcast_in_dim3A_163 : i1 to vector<16xi1>
    %masked_cumsum3A_165 = tpu.scan <sum>, %convert_element_type3A_162 masked %broadcast_in_dim3A_164 : vector<16xi32>, vector<16xi1> -> vector<16xi32>
    %add3A_166 = arith.addi %add3A_152, %masked_cumsum3A_165 : vector<16xi32>
    %sub3A_167 = arith.subi %add3A_166, %convert_element_type3A_162 : vector<16xi32>
    tpu.vector_store_idx %arg9[%sub3A_167], %add3A_161 masked %gt3A_157 : memref<128xi32, #tpu.memory_space<vmem>>[vector<16xi32>], vector<16xi32>, vector<16xi1>
    %all_reduce_population_count3A_168 = tpu.all_reduce %gt3A_157 {dim = 0 : i64, kind = #tpu.reduction_kind<sum>} : vector<16xi1> -> vector<16xi32>
    %add3A_169 = arith.addi %add3A_152, %all_reduce_population_count3A_168 : vector<16xi32>
    %get3A_170 = arith.constant 128 : index
    %get3A_171 = tpu.vector_load %arg7[%get3A_170] {strides = array<i32>} : memref<256xf32, #tpu.memory_space<vmem>>, vector<16xf32>,
    %get3A_172 = arith.constant 0 : index
    %get3A_173 = tpu.vector_load %arg8[%get3A_172] {strides = array<i32>} : memref<16xf32, #tpu.memory_space<vmem>>, vector<16xf32>,
    %gt3A_174 = arith.cmpf ogt, %get3A_171, %get3A_173 : vector<16xf32>
    %add3A_175 = arith.constant 128 : i32
    %add3A_176 = arith.addi %add3A_35, %add3A_175 : i32
    %add3A_177 = vector.broadcast %add3A_176 : i32 to vector<16xi32>
    %add3A_178 = arith.addi %iota3A, %add3A_177 : vector<16xi32>
    %convert_element_type3A_179 = arith.extui %gt3A_174 : vector<16xi1> to vector<16xi32>
    %broadcast_in_dim3A_180 = arith.constant true
    %broadcast_in_dim3A_181 = vector.broadcast %broadcast_in_dim3A_180 : i1 to vector<16xi1>
    %masked_cumsum3A_182 = tpu.scan <sum>, %convert_element_type3A_179 masked %broadcast_in_dim3A_181 : vector<16xi32>, vector<16xi1> -> vector<16xi32>
    %add3A_183 = arith.addi %add3A_169, %masked_cumsum3A_182 : vector<16xi32>
    %sub3A_184 = arith.subi %add3A_183, %convert_element_type3A_179 : vector<16xi32>
    tpu.vector_store_idx %arg9[%sub3A_184], %add3A_178 masked %gt3A_174 : memref<128xi32, #tpu.memory_space<vmem>>[vector<16xi32>], vector<16xi32>, vector<16xi1>
    %all_reduce_population_count3A_185 = tpu.all_reduce %gt3A_174 {dim = 0 : i64, kind = #tpu.reduction_kind<sum>} : vector<16xi1> -> vector<16xi32>
    %add3A_186 = arith.addi %add3A_169, %all_reduce_population_count3A_185 : vector<16xi32>
    %get3A_187 = arith.constant 144 : index
    %get3A_188 = tpu.vector_load %arg7[%get3A_187] {strides = array<i32>} : memref<256xf32, #tpu.memory_space<vmem>>, vector<16xf32>,
    %get3A_189 = arith.constant 0 : index
    %get3A_190 = tpu.vector_load %arg8[%get3A_189] {strides = array<i32>} : memref<16xf32, #tpu.memory_space<vmem>>, vector<16xf32>,
    %gt3A_191 = arith.cmpf ogt, %get3A_188, %get3A_190 : vector<16xf32>
    %add3A_192 = arith.constant 144 : i32
    %add3A_193 = arith.addi %add3A_35, %add3A_192 : i32
    %add3A_194 = vector.broadcast %add3A_193 : i32 to vector<16xi32>
    %add3A_195 = arith.addi %iota3A, %add3A_194 : vector<16xi32>
    %convert_element_type3A_196 = arith.extui %gt3A_191 : vector<16xi1> to vector<16xi32>
    %broadcast_in_dim3A_197 = arith.constant true
    %broadcast_in_dim3A_198 = vector.broadcast %broadcast_in_dim3A_197 : i1 to vector<16xi1>
    %masked_cumsum3A_199 = tpu.scan <sum>, %convert_element_type3A_196 masked %broadcast_in_dim3A_198 : vector<16xi32>, vector<16xi1> -> vector<16xi32>
    %add3A_200 = arith.addi %add3A_186, %masked_cumsum3A_199 : vector<16xi32>
    %sub3A_201 = arith.subi %add3A_200, %convert_element_type3A_196 : vector<16xi32>
    tpu.vector_store_idx %arg9[%sub3A_201], %add3A_195 masked %gt3A_191 : memref<128xi32, #tpu.memory_space<vmem>>[vector<16xi32>], vector<16xi32>, vector<16xi1>
    %all_reduce_population_count3A_202 = tpu.all_reduce %gt3A_191 {dim = 0 : i64, kind = #tpu.reduction_kind<sum>} : vector<16xi1> -> vector<16xi32>
    %add3A_203 = arith.addi %add3A_186, %all_reduce_population_count3A_202 : vector<16xi32>
    %get3A_204 = arith.constant 160 : index
    %get3A_205 = tpu.vector_load %arg7[%get3A_204] {strides = array<i32>} : memref<256xf32, #tpu.memory_space<vmem>>, vector<16xf32>,
    %get3A_206 = arith.constant 0 : index
    %get3A_207 = tpu.vector_load %arg8[%get3A_206] {strides = array<i32>} : memref<16xf32, #tpu.memory_space<vmem>>, vector<16xf32>,
    %gt3A_208 = arith.cmpf ogt, %get3A_205, %get3A_207 : vector<16xf32>
    %add3A_209 = arith.constant 160 : i32
    %add3A_210 = arith.addi %add3A_35, %add3A_209 : i32
    %add3A_211 = vector.broadcast %add3A_210 : i32 to vector<16xi32>
    %add3A_212 = arith.addi %iota3A, %add3A_211 : vector<16xi32>
    %convert_element_type3A_213 = arith.extui %gt3A_208 : vector<16xi1> to vector<16xi32>
    %broadcast_in_dim3A_214 = arith.constant true
    %broadcast_in_dim3A_215 = vector.broadcast %broadcast_in_dim3A_214 : i1 to vector<16xi1>
    %masked_cumsum3A_216 = tpu.scan <sum>, %convert_element_type3A_213 masked %broadcast_in_dim3A_215 : vector<16xi32>, vector<16xi1> -> vector<16xi32>
    %add3A_217 = arith.addi %add3A_203, %masked_cumsum3A_216 : vector<16xi32>
    %sub3A_218 = arith.subi %add3A_217, %convert_element_type3A_213 : vector<16xi32>
    tpu.vector_store_idx %arg9[%sub3A_218], %add3A_212 masked %gt3A_208 : memref<128xi32, #tpu.memory_space<vmem>>[vector<16xi32>], vector<16xi32>, vector<16xi1>
    %all_reduce_population_count3A_219 = tpu.all_reduce %gt3A_208 {dim = 0 : i64, kind = #tpu.reduction_kind<sum>} : vector<16xi1> -> vector<16xi32>
    %add3A_220 = arith.addi %add3A_203, %all_reduce_population_count3A_219 : vector<16xi32>
    %get3A_221 = arith.constant 176 : index
    %get3A_222 = tpu.vector_load %arg7[%get3A_221] {strides = array<i32>} : memref<256xf32, #tpu.memory_space<vmem>>, vector<16xf32>,
    %get3A_223 = arith.constant 0 : index
    %get3A_224 = tpu.vector_load %arg8[%get3A_223] {strides = array<i32>} : memref<16xf32, #tpu.memory_space<vmem>>, vector<16xf32>,
    %gt3A_225 = arith.cmpf ogt, %get3A_222, %get3A_224 : vector<16xf32>
    %add3A_226 = arith.constant 176 : i32
    %add3A_227 = arith.addi %add3A_35, %add3A_226 : i32
    %add3A_228 = vector.broadcast %add3A_227 : i32 to vector<16xi32>
    %add3A_229 = arith.addi %iota3A, %add3A_228 : vector<16xi32>
    %convert_element_type3A_230 = arith.extui %gt3A_225 : vector<16xi1> to vector<16xi32>
    %broadcast_in_dim3A_231 = arith.constant true
    %broadcast_in_dim3A_232 = vector.broadcast %broadcast_in_dim3A_231 : i1 to vector<16xi1>
    %masked_cumsum3A_233 = tpu.scan <sum>, %convert_element_type3A_230 masked %broadcast_in_dim3A_232 : vector<16xi32>, vector<16xi1> -> vector<16xi32>
    %add3A_234 = arith.addi %add3A_220, %masked_cumsum3A_233 : vector<16xi32>
    %sub3A_235 = arith.subi %add3A_234, %convert_element_type3A_230 : vector<16xi32>
    tpu.vector_store_idx %arg9[%sub3A_235], %add3A_229 masked %gt3A_225 : memref<128xi32, #tpu.memory_space<vmem>>[vector<16xi32>], vector<16xi32>, vector<16xi1>
    %all_reduce_population_count3A_236 = tpu.all_reduce %gt3A_225 {dim = 0 : i64, kind = #tpu.reduction_kind<sum>} : vector<16xi1> -> vector<16xi32>
    %add3A_237 = arith.addi %add3A_220, %all_reduce_population_count3A_236 : vector<16xi32>
    %get3A_238 = arith.constant 192 : index
    %get3A_239 = tpu.vector_load %arg7[%get3A_238] {strides = array<i32>} : memref<256xf32, #tpu.memory_space<vmem>>, vector<16xf32>,
    %get3A_240 = arith.constant 0 : index
    %get3A_241 = tpu.vector_load %arg8[%get3A_240] {strides = array<i32>} : memref<16xf32, #tpu.memory_space<vmem>>, vector<16xf32>,
    %gt3A_242 = arith.cmpf ogt, %get3A_239, %get3A_241 : vector<16xf32>
    %add3A_243 = arith.constant 192 : i32
    %add3A_244 = arith.addi %add3A_35, %add3A_243 : i32
    %add3A_245 = vector.broadcast %add3A_244 : i32 to vector<16xi32>
    %add3A_246 = arith.addi %iota3A, %add3A_245 : vector<16xi32>
    %convert_element_type3A_247 = arith.extui %gt3A_242 : vector<16xi1> to vector<16xi32>
    %broadcast_in_dim3A_248 = arith.constant true
    %broadcast_in_dim3A_249 = vector.broadcast %broadcast_in_dim3A_248 : i1 to vector<16xi1>
    %masked_cumsum3A_250 = tpu.scan <sum>, %convert_element_type3A_247 masked %broadcast_in_dim3A_249 : vector<16xi32>, vector<16xi1> -> vector<16xi32>
    %add3A_251 = arith.addi %add3A_237, %masked_cumsum3A_250 : vector<16xi32>
    %sub3A_252 = arith.subi %add3A_251, %convert_element_type3A_247 : vector<16xi32>
    tpu.vector_store_idx %arg9[%sub3A_252], %add3A_246 masked %gt3A_242 : memref<128xi32, #tpu.memory_space<vmem>>[vector<16xi32>], vector<16xi32>, vector<16xi1>
    %all_reduce_population_count3A_253 = tpu.all_reduce %gt3A_242 {dim = 0 : i64, kind = #tpu.reduction_kind<sum>} : vector<16xi1> -> vector<16xi32>
    %add3A_254 = arith.addi %add3A_237, %all_reduce_population_count3A_253 : vector<16xi32>
    %get3A_255 = arith.constant 208 : index
    %get3A_256 = tpu.vector_load %arg7[%get3A_255] {strides = array<i32>} : memref<256xf32, #tpu.memory_space<vmem>>, vector<16xf32>,
    %get3A_257 = arith.constant 0 : index
    %get3A_258 = tpu.vector_load %arg8[%get3A_257] {strides = array<i32>} : memref<16xf32, #tpu.memory_space<vmem>>, vector<16xf32>,
    %gt3A_259 = arith.cmpf ogt, %get3A_256, %get3A_258 : vector<16xf32>
    %add3A_260 = arith.constant 208 : i32
    %add3A_261 = arith.addi %add3A_35, %add3A_260 : i32
    %add3A_262 = vector.broadcast %add3A_261 : i32 to vector<16xi32>
    %add3A_263 = arith.addi %iota3A, %add3A_262 : vector<16xi32>
    %convert_element_type3A_264 = arith.extui %gt3A_259 : vector<16xi1> to vector<16xi32>
    %broadcast_in_dim3A_265 = arith.constant true
    %broadcast_in_dim3A_266 = vector.broadcast %broadcast_in_dim3A_265 : i1 to vector<16xi1>
    %masked_cumsum3A_267 = tpu.scan <sum>, %convert_element_type3A_264 masked %broadcast_in_dim3A_266 : vector<16xi32>, vector<16xi1> -> vector<16xi32>
    %add3A_268 = arith.addi %add3A_254, %masked_cumsum3A_267 : vector<16xi32>
    %sub3A_269 = arith.subi %add3A_268, %convert_element_type3A_264 : vector<16xi32>
    tpu.vector_store_idx %arg9[%sub3A_269], %add3A_263 masked %gt3A_259 : memref<128xi32, #tpu.memory_space<vmem>>[vector<16xi32>], vector<16xi32>, vector<16xi1>
    %all_reduce_population_count3A_270 = tpu.all_reduce %gt3A_259 {dim = 0 : i64, kind = #tpu.reduction_kind<sum>} : vector<16xi1> -> vector<16xi32>
    %add3A_271 = arith.addi %add3A_254, %all_reduce_population_count3A_270 : vector<16xi32>
    %get3A_272 = arith.constant 224 : index
    %get3A_273 = tpu.vector_load %arg7[%get3A_272] {strides = array<i32>} : memref<256xf32, #tpu.memory_space<vmem>>, vector<16xf32>,
    %get3A_274 = arith.constant 0 : index
    %get3A_275 = tpu.vector_load %arg8[%get3A_274] {strides = array<i32>} : memref<16xf32, #tpu.memory_space<vmem>>, vector<16xf32>,
    %gt3A_276 = arith.cmpf ogt, %get3A_273, %get3A_275 : vector<16xf32>
    %add3A_277 = arith.constant 224 : i32
    %add3A_278 = arith.addi %add3A_35, %add3A_277 : i32
    %add3A_279 = vector.broadcast %add3A_278 : i32 to vector<16xi32>
    %add3A_280 = arith.addi %iota3A, %add3A_279 : vector<16xi32>
    %convert_element_type3A_281 = arith.extui %gt3A_276 : vector<16xi1> to vector<16xi32>
    %broadcast_in_dim3A_282 = arith.constant true
    %broadcast_in_dim3A_283 = vector.broadcast %broadcast_in_dim3A_282 : i1 to vector<16xi1>
    %masked_cumsum3A_284 = tpu.scan <sum>, %convert_element_type3A_281 masked %broadcast_in_dim3A_283 : vector<16xi32>, vector<16xi1> -> vector<16xi32>
    %add3A_285 = arith.addi %add3A_271, %masked_cumsum3A_284 : vector<16xi32>
    %sub3A_286 = arith.subi %add3A_285, %convert_element_type3A_281 : vector<16xi32>
    tpu.vector_store_idx %arg9[%sub3A_286], %add3A_280 masked %gt3A_276 : memref<128xi32, #tpu.memory_space<vmem>>[vector<16xi32>], vector<16xi32>, vector<16xi1>
    %all_reduce_population_count3A_287 = tpu.all_reduce %gt3A_276 {dim = 0 : i64, kind = #tpu.reduction_kind<sum>} : vector<16xi1> -> vector<16xi32>
    %add3A_288 = arith.addi %add3A_271, %all_reduce_population_count3A_287 : vector<16xi32>
    %get3A_289 = arith.constant 240 : index
    %get3A_290 = tpu.vector_load %arg7[%get3A_289] {strides = array<i32>} : memref<256xf32, #tpu.memory_space<vmem>>, vector<16xf32>,
    %get3A_291 = arith.constant 0 : index
    %get3A_292 = tpu.vector_load %arg8[%get3A_291] {strides = array<i32>} : memref<16xf32, #tpu.memory_space<vmem>>, vector<16xf32>,
    %gt3A_293 = arith.cmpf ogt, %get3A_290, %get3A_292 : vector<16xf32>
    %add3A_294 = arith.constant 240 : i32
    %add3A_295 = arith.addi %add3A_35, %add3A_294 : i32
    %add3A_296 = vector.broadcast %add3A_295 : i32 to vector<16xi32>
    %add3A_297 = arith.addi %iota3A, %add3A_296 : vector<16xi32>
    %convert_element_type3A_298 = arith.extui %gt3A_293 : vector<16xi1> to vector<16xi32>
    %broadcast_in_dim3A_299 = arith.constant true
    %broadcast_in_dim3A_300 = vector.broadcast %broadcast_in_dim3A_299 : i1 to vector<16xi1>
    %masked_cumsum3A_301 = tpu.scan <sum>, %convert_element_type3A_298 masked %broadcast_in_dim3A_300 : vector<16xi32>, vector<16xi1> -> vector<16xi32>
    %add3A_302 = arith.addi %add3A_288, %masked_cumsum3A_301 : vector<16xi32>
    %sub3A_303 = arith.subi %add3A_302, %convert_element_type3A_298 : vector<16xi32>
    tpu.vector_store_idx %arg9[%sub3A_303], %add3A_297 masked %gt3A_293 : memref<128xi32, #tpu.memory_space<vmem>>[vector<16xi32>], vector<16xi32>, vector<16xi1>
    %all_reduce_population_count3A_304 = tpu.all_reduce %gt3A_293 {dim = 0 : i64, kind = #tpu.reduction_kind<sum>} : vector<16xi1> -> vector<16xi32>
    %add3A_305 = arith.addi %add3A_288, %all_reduce_population_count3A_304 : vector<16xi32>
    %get3A_306 = arith.constant 0 : index
    %get3A_307 = tpu.vector_load %arg9[%get3A_306] {strides = array<i32>} : memref<128xi32, #tpu.memory_space<vmem>>, vector<16xi32>,
    %broadcast_in_dim3A_308 = arith.constant 0 : i32
    %broadcast_in_dim3A_309 = vector.broadcast %broadcast_in_dim3A_308 : i32 to vector<16xi32>
    %lt3A_310 = arith.constant 0 : i32
    %lt3A_311 = vector.broadcast %lt3A_310 : i32 to vector<16xi32>
    %lt3A_312 = arith.cmpi slt, %broadcast_in_dim3A_309, %lt3A_311 : vector<16xi32>
    %add3A_313 = arith.constant 16 : i32
    %add3A_314 = vector.broadcast %add3A_313 : i32 to vector<16xi32>
    %add3A_315 = arith.addi %broadcast_in_dim3A_309, %add3A_314 : vector<16xi32>
    %select_n3A_316 = arith.select %lt3A_312, %add3A_315, %broadcast_in_dim3A_309 : vector<16xi1>, vector<16xi32>
    %broadcast_in_dim3A_317 = vector.shape_cast %select_n3A_316 : vector<16xi32> to vector<16x1xi32>
    %gather3A = vector.shape_cast %broadcast_in_dim3A_317 : vector<16x1xi32> to vector<16xi32>
    %gather3A_318 = tpu.dynamic_gather %get3A_307[%gather3A] in [0] : vector<16xi32>, vector<16xi32> -> vector<16xi32>
    %add3A_319 = arith.addi %add3A_305, %iota3A : vector<16xi32>
    %add3A_320 = arith.constant 0 : i32
    %add3A_321 = vector.broadcast %add3A_320 : i32 to vector<16xi32>
    %add3A_322 = arith.addi %add3A_319, %add3A_321 : vector<16xi32>
    %lt3A_323 = arith.constant 128 : i32
    %lt3A_324 = vector.broadcast %lt3A_323 : i32 to vector<16xi32>
    %lt3A_325 = arith.cmpi slt, %add3A_322, %lt3A_324 : vector<16xi32>
    tpu.vector_store_idx %arg9[%add3A_322], %gather3A_318 masked %lt3A_325 : memref<128xi32, #tpu.memory_space<vmem>>[vector<16xi32>], vector<16xi32>, vector<16xi1>
    %add3A_326 = arith.addi %add3A_305, %iota3A : vector<16xi32>
    %add3A_327 = arith.constant 16 : i32
    %add3A_328 = vector.broadcast %add3A_327 : i32 to vector<16xi32>
    %add3A_329 = arith.addi %add3A_326, %add3A_328 : vector<16xi32>
    %lt3A_330 = arith.constant 128 : i32
    %lt3A_331 = vector.broadcast %lt3A_330 : i32 to vector<16xi32>
    %lt3A_332 = arith.cmpi slt, %add3A_329, %lt3A_331 : vector<16xi32>
    tpu.vector_store_idx %arg9[%add3A_329], %gather3A_318 masked %lt3A_332 : memref<128xi32, #tpu.memory_space<vmem>>[vector<16xi32>], vector<16xi32>, vector<16xi1>
    %add3A_333 = arith.addi %add3A_305, %iota3A : vector<16xi32>
    %add3A_334 = arith.constant 32 : i32
    %add3A_335 = vector.broadcast %add3A_334 : i32 to vector<16xi32>
    %add3A_336 = arith.addi %add3A_333, %add3A_335 : vector<16xi32>
    %lt3A_337 = arith.constant 128 : i32
    %lt3A_338 = vector.broadcast %lt3A_337 : i32 to vector<16xi32>
    %lt3A_339 = arith.cmpi slt, %add3A_336, %lt3A_338 : vector<16xi32>
    tpu.vector_store_idx %arg9[%add3A_336], %gather3A_318 masked %lt3A_339 : memref<128xi32, #tpu.memory_space<vmem>>[vector<16xi32>], vector<16xi32>, vector<16xi1>
    %add3A_340 = arith.addi %add3A_305, %iota3A : vector<16xi32>
    %add3A_341 = arith.constant 48 : i32
    %add3A_342 = vector.broadcast %add3A_341 : i32 to vector<16xi32>
    %add3A_343 = arith.addi %add3A_340, %add3A_342 : vector<16xi32>
    %lt3A_344 = arith.constant 128 : i32
    %lt3A_345 = vector.broadcast %lt3A_344 : i32 to vector<16xi32>
    %lt3A_346 = arith.cmpi slt, %add3A_343, %lt3A_345 : vector<16xi32>
    tpu.vector_store_idx %arg9[%add3A_343], %gather3A_318 masked %lt3A_346 : memref<128xi32, #tpu.memory_space<vmem>>[vector<16xi32>], vector<16xi32>, vector<16xi1>
    %add3A_347 = arith.addi %add3A_305, %iota3A : vector<16xi32>
    %add3A_348 = arith.constant 64 : i32
    %add3A_349 = vector.broadcast %add3A_348 : i32 to vector<16xi32>
    %add3A_350 = arith.addi %add3A_347, %add3A_349 : vector<16xi32>
    %lt3A_351 = arith.constant 128 : i32
    %lt3A_352 = vector.broadcast %lt3A_351 : i32 to vector<16xi32>
    %lt3A_353 = arith.cmpi slt, %add3A_350, %lt3A_352 : vector<16xi32>
    tpu.vector_store_idx %arg9[%add3A_350], %gather3A_318 masked %lt3A_353 : memref<128xi32, #tpu.memory_space<vmem>>[vector<16xi32>], vector<16xi32>, vector<16xi1>
    %add3A_354 = arith.addi %add3A_305, %iota3A : vector<16xi32>
    %add3A_355 = arith.constant 80 : i32
    %add3A_356 = vector.broadcast %add3A_355 : i32 to vector<16xi32>
    %add3A_357 = arith.addi %add3A_354, %add3A_356 : vector<16xi32>
    %lt3A_358 = arith.constant 128 : i32
    %lt3A_359 = vector.broadcast %lt3A_358 : i32 to vector<16xi32>
    %lt3A_360 = arith.cmpi slt, %add3A_357, %lt3A_359 : vector<16xi32>
    tpu.vector_store_idx %arg9[%add3A_357], %gather3A_318 masked %lt3A_360 : memref<128xi32, #tpu.memory_space<vmem>>[vector<16xi32>], vector<16xi32>, vector<16xi1>
    %add3A_361 = arith.addi %add3A_305, %iota3A : vector<16xi32>
    %add3A_362 = arith.constant 96 : i32
    %add3A_363 = vector.broadcast %add3A_362 : i32 to vector<16xi32>
    %add3A_364 = arith.addi %add3A_361, %add3A_363 : vector<16xi32>
    %lt3A_365 = arith.constant 128 : i32
    %lt3A_366 = vector.broadcast %lt3A_365 : i32 to vector<16xi32>
    %lt3A_367 = arith.cmpi slt, %add3A_364, %lt3A_366 : vector<16xi32>
    tpu.vector_store_idx %arg9[%add3A_364], %gather3A_318 masked %lt3A_367 : memref<128xi32, #tpu.memory_space<vmem>>[vector<16xi32>], vector<16xi32>, vector<16xi1>
    %add3A_368 = arith.addi %add3A_305, %iota3A : vector<16xi32>
    %add3A_369 = arith.constant 112 : i32
    %add3A_370 = vector.broadcast %add3A_369 : i32 to vector<16xi32>
    %add3A_371 = arith.addi %add3A_368, %add3A_370 : vector<16xi32>
    %lt3A_372 = arith.constant 128 : i32
    %lt3A_373 = vector.broadcast %lt3A_372 : i32 to vector<16xi32>
    %lt3A_374 = arith.cmpi slt, %add3A_371, %lt3A_373 : vector<16xi32>
    tpu.vector_store_idx %arg9[%add3A_371], %gather3A_318 masked %lt3A_374 : memref<128xi32, #tpu.memory_space<vmem>>[vector<16xi32>], vector<16xi32>, vector<16xi1>
    %slice3A = vector.extract_strided_slice %add3A_305 {offsets = [0], sizes = [1], strides = [1]} : vector<16xi32> to vector<1xi32>
    %squeeze3A = vector.extract %slice3A[0] : i32 from vector<1xi32>
    %gt3A_375 = arith.constant 0 : i32
    %gt3A_376 = arith.cmpi sgt, %squeeze3A, %gt3A_375 : i32
    %convert_element_type3A_377 = arith.extui %gt3A_376 : i1 to i32
    %cond3A = arith.constant 0 : i32
    %cond3A_378 = arith.cmpi ne, %convert_element_type3A_377, %cond3A : i32
    scf.if %cond3A_378 {
      %get3A_414 = arith.constant 0 : index
      %get3A_415 = tpu.vector_load %arg9[%get3A_414] {strides = array<i32>} : memref<128xi32, #tpu.memory_space<vmem>>, vector<16xi32>,
      %dma_start3A = arith.constant 0 : i32
      %dma_start3A_416 = arith.constant 0 : i32
      %dma_start3A_417 = tpu.memref_slice %arg4[%dma_start3A, %dma_start3A_416] : memref<8192x1024xf32, #tpu.memory_space<hbm>> -> memref<8192x1024xf32, #tpu.memory_space<hbm>>
      tpu.enqueue_indirect_dma source(%dma_start3A_417 : memref<8192x1024xf32, #tpu.memory_space<hbm>>) target(%arg10 : memref<16x1024xf32, #tpu.memory_space<vmem>>) offsets(%get3A_415 : vector<16xi32>) semaphore(%arg11 : memref<!tpu.dma_semaphore, #tpu.memory_space<semaphore_mem>>)
      %dma_wait3A = arith.constant 0 : i32
      %dma_wait3A_418 = arith.constant 0 : i32
      %dma_wait3A_419 = tpu.memref_slice %arg4[%dma_wait3A, %dma_wait3A_418] : memref<8192x1024xf32, #tpu.memory_space<hbm>> -> memref<8192x1024xf32, #tpu.memory_space<hbm>>
      tpu.wait_indirect_dma semaphore(%arg11 : memref<!tpu.dma_semaphore, #tpu.memory_space<semaphore_mem>>) src(%dma_wait3A_419 : memref<8192x1024xf32, #tpu.memory_space<hbm>>) dst(%arg10 : memref<16x1024xf32, #tpu.memory_space<vmem>>)
      %dma_start3A_420 = arith.constant 0 : i32
      %dma_start3A_421 = arith.constant 0 : i32
      %dma_start3A_422 = tpu.memref_slice %arg5[%dma_start3A_420, %dma_start3A_421] : memref<8192x1024xf32, #tpu.memory_space<hbm>> -> memref<8192x1024xf32, #tpu.memory_space<hbm>>
      tpu.enqueue_indirect_dma source(%arg10 : memref<16x1024xf32, #tpu.memory_space<vmem>>) target(%dma_start3A_422 : memref<8192x1024xf32, #tpu.memory_space<hbm>>) offsets(%get3A_415 : vector<16xi32>) semaphore(%arg11 : memref<!tpu.dma_semaphore, #tpu.memory_space<semaphore_mem>>)
      %dma_wait3A_423 = arith.constant 0 : i32
      %dma_wait3A_424 = arith.constant 0 : i32
      %dma_wait3A_425 = tpu.memref_slice %arg5[%dma_wait3A_423, %dma_wait3A_424] : memref<8192x1024xf32, #tpu.memory_space<hbm>> -> memref<8192x1024xf32, #tpu.memory_space<hbm>>
      tpu.wait_indirect_dma semaphore(%arg11 : memref<!tpu.dma_semaphore, #tpu.memory_space<semaphore_mem>>) src(%arg10 : memref<16x1024xf32, #tpu.memory_space<vmem>>) dst(%dma_wait3A_425 : memref<8192x1024xf32, #tpu.memory_space<hbm>>)
    } else {
    }
    %gt3A_379 = arith.constant 16 : i32
    %gt3A_380 = arith.cmpi sgt, %squeeze3A, %gt3A_379 : i32
    %convert_element_type3A_381 = arith.extui %gt3A_380 : i1 to i32
    %cond3A_382 = arith.constant 0 : i32
    %cond3A_383 = arith.cmpi ne, %convert_element_type3A_381, %cond3A_382 : i32
    scf.if %cond3A_383 {
      %get3A_414 = arith.constant 16 : index
      %get3A_415 = tpu.vector_load %arg9[%get3A_414] {strides = array<i32>} : memref<128xi32, #tpu.memory_space<vmem>>, vector<16xi32>,
      %dma_start3A = arith.constant 0 : i32
      %dma_start3A_416 = arith.constant 0 : i32
      %dma_start3A_417 = tpu.memref_slice %arg4[%dma_start3A, %dma_start3A_416] : memref<8192x1024xf32, #tpu.memory_space<hbm>> -> memref<8192x1024xf32, #tpu.memory_space<hbm>>
      tpu.enqueue_indirect_dma source(%dma_start3A_417 : memref<8192x1024xf32, #tpu.memory_space<hbm>>) target(%arg10 : memref<16x1024xf32, #tpu.memory_space<vmem>>) offsets(%get3A_415 : vector<16xi32>) semaphore(%arg11 : memref<!tpu.dma_semaphore, #tpu.memory_space<semaphore_mem>>)
      %dma_wait3A = arith.constant 0 : i32
      %dma_wait3A_418 = arith.constant 0 : i32
      %dma_wait3A_419 = tpu.memref_slice %arg4[%dma_wait3A, %dma_wait3A_418] : memref<8192x1024xf32, #tpu.memory_space<hbm>> -> memref<8192x1024xf32, #tpu.memory_space<hbm>>
      tpu.wait_indirect_dma semaphore(%arg11 : memref<!tpu.dma_semaphore, #tpu.memory_space<semaphore_mem>>) src(%dma_wait3A_419 : memref<8192x1024xf32, #tpu.memory_space<hbm>>) dst(%arg10 : memref<16x1024xf32, #tpu.memory_space<vmem>>)
      %dma_start3A_420 = arith.constant 0 : i32
      %dma_start3A_421 = arith.constant 0 : i32
      %dma_start3A_422 = tpu.memref_slice %arg5[%dma_start3A_420, %dma_start3A_421] : memref<8192x1024xf32, #tpu.memory_space<hbm>> -> memref<8192x1024xf32, #tpu.memory_space<hbm>>
      tpu.enqueue_indirect_dma source(%arg10 : memref<16x1024xf32, #tpu.memory_space<vmem>>) target(%dma_start3A_422 : memref<8192x1024xf32, #tpu.memory_space<hbm>>) offsets(%get3A_415 : vector<16xi32>) semaphore(%arg11 : memref<!tpu.dma_semaphore, #tpu.memory_space<semaphore_mem>>)
      %dma_wait3A_423 = arith.constant 0 : i32
      %dma_wait3A_424 = arith.constant 0 : i32
      %dma_wait3A_425 = tpu.memref_slice %arg5[%dma_wait3A_423, %dma_wait3A_424] : memref<8192x1024xf32, #tpu.memory_space<hbm>> -> memref<8192x1024xf32, #tpu.memory_space<hbm>>
      tpu.wait_indirect_dma semaphore(%arg11 : memref<!tpu.dma_semaphore, #tpu.memory_space<semaphore_mem>>) src(%arg10 : memref<16x1024xf32, #tpu.memory_space<vmem>>) dst(%dma_wait3A_425 : memref<8192x1024xf32, #tpu.memory_space<hbm>>)
    } else {
    }
    %gt3A_384 = arith.constant 32 : i32
    %gt3A_385 = arith.cmpi sgt, %squeeze3A, %gt3A_384 : i32
    %convert_element_type3A_386 = arith.extui %gt3A_385 : i1 to i32
    %cond3A_387 = arith.constant 0 : i32
    %cond3A_388 = arith.cmpi ne, %convert_element_type3A_386, %cond3A_387 : i32
    scf.if %cond3A_388 {
      %get3A_414 = arith.constant 32 : index
      %get3A_415 = tpu.vector_load %arg9[%get3A_414] {strides = array<i32>} : memref<128xi32, #tpu.memory_space<vmem>>, vector<16xi32>,
      %dma_start3A = arith.constant 0 : i32
      %dma_start3A_416 = arith.constant 0 : i32
      %dma_start3A_417 = tpu.memref_slice %arg4[%dma_start3A, %dma_start3A_416] : memref<8192x1024xf32, #tpu.memory_space<hbm>> -> memref<8192x1024xf32, #tpu.memory_space<hbm>>
      tpu.enqueue_indirect_dma source(%dma_start3A_417 : memref<8192x1024xf32, #tpu.memory_space<hbm>>) target(%arg10 : memref<16x1024xf32, #tpu.memory_space<vmem>>) offsets(%get3A_415 : vector<16xi32>) semaphore(%arg11 : memref<!tpu.dma_semaphore, #tpu.memory_space<semaphore_mem>>)
      %dma_wait3A = arith.constant 0 : i32
      %dma_wait3A_418 = arith.constant 0 : i32
      %dma_wait3A_419 = tpu.memref_slice %arg4[%dma_wait3A, %dma_wait3A_418] : memref<8192x1024xf32, #tpu.memory_space<hbm>> -> memref<8192x1024xf32, #tpu.memory_space<hbm>>
      tpu.wait_indirect_dma semaphore(%arg11 : memref<!tpu.dma_semaphore, #tpu.memory_space<semaphore_mem>>) src(%dma_wait3A_419 : memref<8192x1024xf32, #tpu.memory_space<hbm>>) dst(%arg10 : memref<16x1024xf32, #tpu.memory_space<vmem>>)
      %dma_start3A_420 = arith.constant 0 : i32
      %dma_start3A_421 = arith.constant 0 : i32
      %dma_start3A_422 = tpu.memref_slice %arg5[%dma_start3A_420, %dma_start3A_421] : memref<8192x1024xf32, #tpu.memory_space<hbm>> -> memref<8192x1024xf32, #tpu.memory_space<hbm>>
      tpu.enqueue_indirect_dma source(%arg10 : memref<16x1024xf32, #tpu.memory_space<vmem>>) target(%dma_start3A_422 : memref<8192x1024xf32, #tpu.memory_space<hbm>>) offsets(%get3A_415 : vector<16xi32>) semaphore(%arg11 : memref<!tpu.dma_semaphore, #tpu.memory_space<semaphore_mem>>)
      %dma_wait3A_423 = arith.constant 0 : i32
      %dma_wait3A_424 = arith.constant 0 : i32
      %dma_wait3A_425 = tpu.memref_slice %arg5[%dma_wait3A_423, %dma_wait3A_424] : memref<8192x1024xf32, #tpu.memory_space<hbm>> -> memref<8192x1024xf32, #tpu.memory_space<hbm>>
      tpu.wait_indirect_dma semaphore(%arg11 : memref<!tpu.dma_semaphore, #tpu.memory_space<semaphore_mem>>) src(%arg10 : memref<16x1024xf32, #tpu.memory_space<vmem>>) dst(%dma_wait3A_425 : memref<8192x1024xf32, #tpu.memory_space<hbm>>)
    } else {
    }
    %gt3A_389 = arith.constant 48 : i32
    %gt3A_390 = arith.cmpi sgt, %squeeze3A, %gt3A_389 : i32
    %convert_element_type3A_391 = arith.extui %gt3A_390 : i1 to i32
    %cond3A_392 = arith.constant 0 : i32
    %cond3A_393 = arith.cmpi ne, %convert_element_type3A_391, %cond3A_392 : i32
    scf.if %cond3A_393 {
      %get3A_414 = arith.constant 48 : index
      %get3A_415 = tpu.vector_load %arg9[%get3A_414] {strides = array<i32>} : memref<128xi32, #tpu.memory_space<vmem>>, vector<16xi32>,
      %dma_start3A = arith.constant 0 : i32
      %dma_start3A_416 = arith.constant 0 : i32
      %dma_start3A_417 = tpu.memref_slice %arg4[%dma_start3A, %dma_start3A_416] : memref<8192x1024xf32, #tpu.memory_space<hbm>> -> memref<8192x1024xf32, #tpu.memory_space<hbm>>
      tpu.enqueue_indirect_dma source(%dma_start3A_417 : memref<8192x1024xf32, #tpu.memory_space<hbm>>) target(%arg10 : memref<16x1024xf32, #tpu.memory_space<vmem>>) offsets(%get3A_415 : vector<16xi32>) semaphore(%arg11 : memref<!tpu.dma_semaphore, #tpu.memory_space<semaphore_mem>>)
      %dma_wait3A = arith.constant 0 : i32
      %dma_wait3A_418 = arith.constant 0 : i32
      %dma_wait3A_419 = tpu.memref_slice %arg4[%dma_wait3A, %dma_wait3A_418] : memref<8192x1024xf32, #tpu.memory_space<hbm>> -> memref<8192x1024xf32, #tpu.memory_space<hbm>>
      tpu.wait_indirect_dma semaphore(%arg11 : memref<!tpu.dma_semaphore, #tpu.memory_space<semaphore_mem>>) src(%dma_wait3A_419 : memref<8192x1024xf32, #tpu.memory_space<hbm>>) dst(%arg10 : memref<16x1024xf32, #tpu.memory_space<vmem>>)
      %dma_start3A_420 = arith.constant 0 : i32
      %dma_start3A_421 = arith.constant 0 : i32
      %dma_start3A_422 = tpu.memref_slice %arg5[%dma_start3A_420, %dma_start3A_421] : memref<8192x1024xf32, #tpu.memory_space<hbm>> -> memref<8192x1024xf32, #tpu.memory_space<hbm>>
      tpu.enqueue_indirect_dma source(%arg10 : memref<16x1024xf32, #tpu.memory_space<vmem>>) target(%dma_start3A_422 : memref<8192x1024xf32, #tpu.memory_space<hbm>>) offsets(%get3A_415 : vector<16xi32>) semaphore(%arg11 : memref<!tpu.dma_semaphore, #tpu.memory_space<semaphore_mem>>)
      %dma_wait3A_423 = arith.constant 0 : i32
      %dma_wait3A_424 = arith.constant 0 : i32
      %dma_wait3A_425 = tpu.memref_slice %arg5[%dma_wait3A_423, %dma_wait3A_424] : memref<8192x1024xf32, #tpu.memory_space<hbm>> -> memref<8192x1024xf32, #tpu.memory_space<hbm>>
      tpu.wait_indirect_dma semaphore(%arg11 : memref<!tpu.dma_semaphore, #tpu.memory_space<semaphore_mem>>) src(%arg10 : memref<16x1024xf32, #tpu.memory_space<vmem>>) dst(%dma_wait3A_425 : memref<8192x1024xf32, #tpu.memory_space<hbm>>)
    } else {
    }
    %gt3A_394 = arith.constant 64 : i32
    %gt3A_395 = arith.cmpi sgt, %squeeze3A, %gt3A_394 : i32
    %convert_element_type3A_396 = arith.extui %gt3A_395 : i1 to i32
    %cond3A_397 = arith.constant 0 : i32
    %cond3A_398 = arith.cmpi ne, %convert_element_type3A_396, %cond3A_397 : i32
    scf.if %cond3A_398 {
      %get3A_414 = arith.constant 64 : index
      %get3A_415 = tpu.vector_load %arg9[%get3A_414] {strides = array<i32>} : memref<128xi32, #tpu.memory_space<vmem>>, vector<16xi32>,
      %dma_start3A = arith.constant 0 : i32
      %dma_start3A_416 = arith.constant 0 : i32
      %dma_start3A_417 = tpu.memref_slice %arg4[%dma_start3A, %dma_start3A_416] : memref<8192x1024xf32, #tpu.memory_space<hbm>> -> memref<8192x1024xf32, #tpu.memory_space<hbm>>
      tpu.enqueue_indirect_dma source(%dma_start3A_417 : memref<8192x1024xf32, #tpu.memory_space<hbm>>) target(%arg10 : memref<16x1024xf32, #tpu.memory_space<vmem>>) offsets(%get3A_415 : vector<16xi32>) semaphore(%arg11 : memref<!tpu.dma_semaphore, #tpu.memory_space<semaphore_mem>>)
      %dma_wait3A = arith.constant 0 : i32
      %dma_wait3A_418 = arith.constant 0 : i32
      %dma_wait3A_419 = tpu.memref_slice %arg4[%dma_wait3A, %dma_wait3A_418] : memref<8192x1024xf32, #tpu.memory_space<hbm>> -> memref<8192x1024xf32, #tpu.memory_space<hbm>>
      tpu.wait_indirect_dma semaphore(%arg11 : memref<!tpu.dma_semaphore, #tpu.memory_space<semaphore_mem>>) src(%dma_wait3A_419 : memref<8192x1024xf32, #tpu.memory_space<hbm>>) dst(%arg10 : memref<16x1024xf32, #tpu.memory_space<vmem>>)
      %dma_start3A_420 = arith.constant 0 : i32
      %dma_start3A_421 = arith.constant 0 : i32
      %dma_start3A_422 = tpu.memref_slice %arg5[%dma_start3A_420, %dma_start3A_421] : memref<8192x1024xf32, #tpu.memory_space<hbm>> -> memref<8192x1024xf32, #tpu.memory_space<hbm>>
      tpu.enqueue_indirect_dma source(%arg10 : memref<16x1024xf32, #tpu.memory_space<vmem>>) target(%dma_start3A_422 : memref<8192x1024xf32, #tpu.memory_space<hbm>>) offsets(%get3A_415 : vector<16xi32>) semaphore(%arg11 : memref<!tpu.dma_semaphore, #tpu.memory_space<semaphore_mem>>)
      %dma_wait3A_423 = arith.constant 0 : i32
      %dma_wait3A_424 = arith.constant 0 : i32
      %dma_wait3A_425 = tpu.memref_slice %arg5[%dma_wait3A_423, %dma_wait3A_424] : memref<8192x1024xf32, #tpu.memory_space<hbm>> -> memref<8192x1024xf32, #tpu.memory_space<hbm>>
      tpu.wait_indirect_dma semaphore(%arg11 : memref<!tpu.dma_semaphore, #tpu.memory_space<semaphore_mem>>) src(%arg10 : memref<16x1024xf32, #tpu.memory_space<vmem>>) dst(%dma_wait3A_425 : memref<8192x1024xf32, #tpu.memory_space<hbm>>)
    } else {
    }
    %gt3A_399 = arith.constant 80 : i32
    %gt3A_400 = arith.cmpi sgt, %squeeze3A, %gt3A_399 : i32
    %convert_element_type3A_401 = arith.extui %gt3A_400 : i1 to i32
    %cond3A_402 = arith.constant 0 : i32
    %cond3A_403 = arith.cmpi ne, %convert_element_type3A_401, %cond3A_402 : i32
    scf.if %cond3A_403 {
      %get3A_414 = arith.constant 80 : index
      %get3A_415 = tpu.vector_load %arg9[%get3A_414] {strides = array<i32>} : memref<128xi32, #tpu.memory_space<vmem>>, vector<16xi32>,
      %dma_start3A = arith.constant 0 : i32
      %dma_start3A_416 = arith.constant 0 : i32
      %dma_start3A_417 = tpu.memref_slice %arg4[%dma_start3A, %dma_start3A_416] : memref<8192x1024xf32, #tpu.memory_space<hbm>> -> memref<8192x1024xf32, #tpu.memory_space<hbm>>
      tpu.enqueue_indirect_dma source(%dma_start3A_417 : memref<8192x1024xf32, #tpu.memory_space<hbm>>) target(%arg10 : memref<16x1024xf32, #tpu.memory_space<vmem>>) offsets(%get3A_415 : vector<16xi32>) semaphore(%arg11 : memref<!tpu.dma_semaphore, #tpu.memory_space<semaphore_mem>>)
      %dma_wait3A = arith.constant 0 : i32
      %dma_wait3A_418 = arith.constant 0 : i32
      %dma_wait3A_419 = tpu.memref_slice %arg4[%dma_wait3A, %dma_wait3A_418] : memref<8192x1024xf32, #tpu.memory_space<hbm>> -> memref<8192x1024xf32, #tpu.memory_space<hbm>>
      tpu.wait_indirect_dma semaphore(%arg11 : memref<!tpu.dma_semaphore, #tpu.memory_space<semaphore_mem>>) src(%dma_wait3A_419 : memref<8192x1024xf32, #tpu.memory_space<hbm>>) dst(%arg10 : memref<16x1024xf32, #tpu.memory_space<vmem>>)
      %dma_start3A_420 = arith.constant 0 : i32
      %dma_start3A_421 = arith.constant 0 : i32
      %dma_start3A_422 = tpu.memref_slice %arg5[%dma_start3A_420, %dma_start3A_421] : memref<8192x1024xf32, #tpu.memory_space<hbm>> -> memref<8192x1024xf32, #tpu.memory_space<hbm>>
      tpu.enqueue_indirect_dma source(%arg10 : memref<16x1024xf32, #tpu.memory_space<vmem>>) target(%dma_start3A_422 : memref<8192x1024xf32, #tpu.memory_space<hbm>>) offsets(%get3A_415 : vector<16xi32>) semaphore(%arg11 : memref<!tpu.dma_semaphore, #tpu.memory_space<semaphore_mem>>)
      %dma_wait3A_423 = arith.constant 0 : i32
      %dma_wait3A_424 = arith.constant 0 : i32
      %dma_wait3A_425 = tpu.memref_slice %arg5[%dma_wait3A_423, %dma_wait3A_424] : memref<8192x1024xf32, #tpu.memory_space<hbm>> -> memref<8192x1024xf32, #tpu.memory_space<hbm>>
      tpu.wait_indirect_dma semaphore(%arg11 : memref<!tpu.dma_semaphore, #tpu.memory_space<semaphore_mem>>) src(%arg10 : memref<16x1024xf32, #tpu.memory_space<vmem>>) dst(%dma_wait3A_425 : memref<8192x1024xf32, #tpu.memory_space<hbm>>)
    } else {
    }
    %gt3A_404 = arith.constant 96 : i32
    %gt3A_405 = arith.cmpi sgt, %squeeze3A, %gt3A_404 : i32
    %convert_element_type3A_406 = arith.extui %gt3A_405 : i1 to i32
    %cond3A_407 = arith.constant 0 : i32
    %cond3A_408 = arith.cmpi ne, %convert_element_type3A_406, %cond3A_407 : i32
    scf.if %cond3A_408 {
      %get3A_414 = arith.constant 96 : index
      %get3A_415 = tpu.vector_load %arg9[%get3A_414] {strides = array<i32>} : memref<128xi32, #tpu.memory_space<vmem>>, vector<16xi32>,
      %dma_start3A = arith.constant 0 : i32
      %dma_start3A_416 = arith.constant 0 : i32
      %dma_start3A_417 = tpu.memref_slice %arg4[%dma_start3A, %dma_start3A_416] : memref<8192x1024xf32, #tpu.memory_space<hbm>> -> memref<8192x1024xf32, #tpu.memory_space<hbm>>
      tpu.enqueue_indirect_dma source(%dma_start3A_417 : memref<8192x1024xf32, #tpu.memory_space<hbm>>) target(%arg10 : memref<16x1024xf32, #tpu.memory_space<vmem>>) offsets(%get3A_415 : vector<16xi32>) semaphore(%arg11 : memref<!tpu.dma_semaphore, #tpu.memory_space<semaphore_mem>>)
      %dma_wait3A = arith.constant 0 : i32
      %dma_wait3A_418 = arith.constant 0 : i32
      %dma_wait3A_419 = tpu.memref_slice %arg4[%dma_wait3A, %dma_wait3A_418] : memref<8192x1024xf32, #tpu.memory_space<hbm>> -> memref<8192x1024xf32, #tpu.memory_space<hbm>>
      tpu.wait_indirect_dma semaphore(%arg11 : memref<!tpu.dma_semaphore, #tpu.memory_space<semaphore_mem>>) src(%dma_wait3A_419 : memref<8192x1024xf32, #tpu.memory_space<hbm>>) dst(%arg10 : memref<16x1024xf32, #tpu.memory_space<vmem>>)
      %dma_start3A_420 = arith.constant 0 : i32
      %dma_start3A_421 = arith.constant 0 : i32
      %dma_start3A_422 = tpu.memref_slice %arg5[%dma_start3A_420, %dma_start3A_421] : memref<8192x1024xf32, #tpu.memory_space<hbm>> -> memref<8192x1024xf32, #tpu.memory_space<hbm>>
      tpu.enqueue_indirect_dma source(%arg10 : memref<16x1024xf32, #tpu.memory_space<vmem>>) target(%dma_start3A_422 : memref<8192x1024xf32, #tpu.memory_space<hbm>>) offsets(%get3A_415 : vector<16xi32>) semaphore(%arg11 : memref<!tpu.dma_semaphore, #tpu.memory_space<semaphore_mem>>)
      %dma_wait3A_423 = arith.constant 0 : i32
      %dma_wait3A_424 = arith.constant 0 : i32
      %dma_wait3A_425 = tpu.memref_slice %arg5[%dma_wait3A_423, %dma_wait3A_424] : memref<8192x1024xf32, #tpu.memory_space<hbm>> -> memref<8192x1024xf32, #tpu.memory_space<hbm>>
      tpu.wait_indirect_dma semaphore(%arg11 : memref<!tpu.dma_semaphore, #tpu.memory_space<semaphore_mem>>) src(%arg10 : memref<16x1024xf32, #tpu.memory_space<vmem>>) dst(%dma_wait3A_425 : memref<8192x1024xf32, #tpu.memory_space<hbm>>)
    } else {
    }
    %gt3A_409 = arith.constant 112 : i32
    %gt3A_410 = arith.cmpi sgt, %squeeze3A, %gt3A_409 : i32
    %convert_element_type3A_411 = arith.extui %gt3A_410 : i1 to i32
    %cond3A_412 = arith.constant 0 : i32
    %cond3A_413 = arith.cmpi ne, %convert_element_type3A_411, %cond3A_412 : i32
    scf.if %cond3A_413 {
      %get3A_414 = arith.constant 112 : index
      %get3A_415 = tpu.vector_load %arg9[%get3A_414] {strides = array<i32>} : memref<128xi32, #tpu.memory_space<vmem>>, vector<16xi32>,
      %dma_start3A = arith.constant 0 : i32
      %dma_start3A_416 = arith.constant 0 : i32
      %dma_start3A_417 = tpu.memref_slice %arg4[%dma_start3A, %dma_start3A_416] : memref<8192x1024xf32, #tpu.memory_space<hbm>> -> memref<8192x1024xf32, #tpu.memory_space<hbm>>
      tpu.enqueue_indirect_dma source(%dma_start3A_417 : memref<8192x1024xf32, #tpu.memory_space<hbm>>) target(%arg10 : memref<16x1024xf32, #tpu.memory_space<vmem>>) offsets(%get3A_415 : vector<16xi32>) semaphore(%arg11 : memref<!tpu.dma_semaphore, #tpu.memory_space<semaphore_mem>>)
      %dma_wait3A = arith.constant 0 : i32
      %dma_wait3A_418 = arith.constant 0 : i32
      %dma_wait3A_419 = tpu.memref_slice %arg4[%dma_wait3A, %dma_wait3A_418] : memref<8192x1024xf32, #tpu.memory_space<hbm>> -> memref<8192x1024xf32, #tpu.memory_space<hbm>>
      tpu.wait_indirect_dma semaphore(%arg11 : memref<!tpu.dma_semaphore, #tpu.memory_space<semaphore_mem>>) src(%dma_wait3A_419 : memref<8192x1024xf32, #tpu.memory_space<hbm>>) dst(%arg10 : memref<16x1024xf32, #tpu.memory_space<vmem>>)
      %dma_start3A_420 = arith.constant 0 : i32
      %dma_start3A_421 = arith.constant 0 : i32
      %dma_start3A_422 = tpu.memref_slice %arg5[%dma_start3A_420, %dma_start3A_421] : memref<8192x1024xf32, #tpu.memory_space<hbm>> -> memref<8192x1024xf32, #tpu.memory_space<hbm>>
      tpu.enqueue_indirect_dma source(%arg10 : memref<16x1024xf32, #tpu.memory_space<vmem>>) target(%dma_start3A_422 : memref<8192x1024xf32, #tpu.memory_space<hbm>>) offsets(%get3A_415 : vector<16xi32>) semaphore(%arg11 : memref<!tpu.dma_semaphore, #tpu.memory_space<semaphore_mem>>)
      %dma_wait3A_423 = arith.constant 0 : i32
      %dma_wait3A_424 = arith.constant 0 : i32
      %dma_wait3A_425 = tpu.memref_slice %arg5[%dma_wait3A_423, %dma_wait3A_424] : memref<8192x1024xf32, #tpu.memory_space<hbm>> -> memref<8192x1024xf32, #tpu.memory_space<hbm>>
      tpu.wait_indirect_dma semaphore(%arg11 : memref<!tpu.dma_semaphore, #tpu.memory_space<semaphore_mem>>) src(%arg10 : memref<16x1024xf32, #tpu.memory_space<vmem>>) dst(%dma_wait3A_425 : memref<8192x1024xf32, #tpu.memory_space<hbm>>)
    } else {
    }
    return
  }
}

module attributes {stable_mosaic.version = 14 : i64} {
  func.func @_body(%arg0: i32, %arg1: i32, %arg2: memref<1x2048x256xf32, #tpu.memory_space<vmem>>, %arg3: memref<1x2048x256xf32, #tpu.memory_space<vmem>>, %arg4: memref<1x512x1024xf32, #tpu.memory_space<vmem>>, %arg5: memref<1x512x1024xf32, #tpu.memory_space<vmem>>, %arg6: memref<1x1x2048xf32, #tpu.memory_space<vmem>>, %arg7: memref<1x1x128xf32, #tpu.memory_space<vmem>>, %arg8: memref<1x1024x1024xf32, #tpu.memory_space<vmem>>, %arg9: memref<2x1x1024xf32, #tpu.memory_space<vmem>>) attributes {dimension_semantics = [#tpu.dimension_semantics<arbitrary>, #tpu.dimension_semantics<arbitrary>], iteration_bounds = array<i64: 5, 2>, scalar_prefetch = 0 : i64, scratch_operands = 1 : i64, tpu.core_type = #tpu.core_type<tc>, window_params = [{transform_indices = @transform_0, window_bounds = array<i64: 1, 2048, 256>}, {transform_indices = @transform_1, window_bounds = array<i64: 1, 2048, 256>}, {transform_indices = @transform_2, window_bounds = array<i64: 1, 512, 1024>}, {transform_indices = @transform_3, window_bounds = array<i64: 1, 512, 1024>}, {transform_indices = @transform_4, window_bounds = array<i64: 1, 1, 2048>}, {transform_indices = @transform_5, window_bounds = array<i64: 1, 1, 128>}, {transform_indices = @transform_6, window_bounds = array<i64: 1, 1024, 1024>}]} {
    %jit3A = arith.constant 2 : i32
    %eq3A = arith.constant 0 : i32
    %eq3A_0 = arith.cmpi eq, %jit3A, %eq3A : i32
    %jit3A_1 = arith.constant 1 : i32
    %select_n3A = arith.select %eq3A_0, %jit3A_1, %jit3A : i32
    %rem3A = arith.remsi %arg0, %select_n3A : i32
    %ne3A = arith.constant 0 : i32
    %ne3A_2 = arith.cmpi ne, %rem3A, %ne3A : i32
    %lt3A = arith.constant 0 : i32
    %lt3A_3 = arith.cmpi slt, %rem3A, %lt3A : i32
    %lt3A_4 = arith.constant 0 : i32
    %lt3A_5 = arith.cmpi slt, %select_n3A, %lt3A_4 : i32
    %ne3A_6 = arith.xori %lt3A_3, %lt3A_5 : i1
    %and3A = arith.andi %ne3A_6, %ne3A_2 : i1
    %add3A = arith.addi %rem3A, %select_n3A : i32
    %select_n3A_7 = arith.select %and3A, %add3A, %rem3A : i32
    %add3A_8 = arith.constant 1 : i32
    %add3A_9 = arith.addi %arg0, %add3A_8 : i32
    %jit3A_10 = arith.constant 2 : i32
    %eq3A_11 = arith.constant 0 : i32
    %eq3A_12 = arith.cmpi eq, %jit3A_10, %eq3A_11 : i32
    %jit3A_13 = arith.constant 1 : i32
    %select_n3A_14 = arith.select %eq3A_12, %jit3A_13, %jit3A_10 : i32
    %rem3A_15 = arith.remsi %add3A_9, %select_n3A_14 : i32
    %ne3A_16 = arith.constant 0 : i32
    %ne3A_17 = arith.cmpi ne, %rem3A_15, %ne3A_16 : i32
    %lt3A_18 = arith.constant 0 : i32
    %lt3A_19 = arith.cmpi slt, %rem3A_15, %lt3A_18 : i32
    %lt3A_20 = arith.constant 0 : i32
    %lt3A_21 = arith.cmpi slt, %select_n3A_14, %lt3A_20 : i32
    %ne3A_22 = arith.xori %lt3A_19, %lt3A_21 : i1
    %and3A_23 = arith.andi %ne3A_22, %ne3A_17 : i1
    %add3A_24 = arith.addi %rem3A_15, %select_n3A_14 : i32
    %select_n3A_25 = arith.select %and3A_23, %add3A_24, %rem3A_15 : i32
    %lt3A_26 = arith.constant 4 : i32
    %lt3A_27 = arith.cmpi slt, %arg0, %lt3A_26 : i32
    %eq3A_28 = arith.constant 0 : i32
    %eq3A_29 = arith.cmpi eq, %select_n3A_7, %eq3A_28 : i32
    %and3A_30 = arith.andi %lt3A_27, %eq3A_29 : i1
    %convert_element_type3A = arith.extui %and3A_30 : i1 to i32
    %cond3A = arith.constant 0 : i32
    %cond3A_31 = arith.cmpi ne, %convert_element_type3A, %cond3A : i32
    scf.if %cond3A_31 {
      %broadcast_in_dim3A = arith.constant 1.000000e+00 : f32
      %broadcast_in_dim3A_68 = vector.broadcast %broadcast_in_dim3A : f32 to vector<1x2048xf32>
      %get3A = arith.constant 0 : index
      %get3A_69 = arith.constant 0 : index
      %get3A_70 = arith.constant 0 : index
      %get3A_71 = vector.load %arg2[%get3A, %get3A_69, %get3A_70] : memref<1x2048x256xf32, #tpu.memory_space<vmem>>, vector<1x2048x256xf32>
      %get3A_72 = vector.shape_cast %get3A_71 : vector<1x2048x256xf32> to vector<2048x256xf32>
      %max3A = arith.constant 0.000000e+00 : f32
      %max3A_73 = vector.broadcast %max3A : f32 to vector<2048x256xf32>
      %max3A_74 = arith.maximumf %get3A_72, %max3A_73 : vector<2048x256xf32>
      %add3A_75 = arith.constant 1.000000e-03 : f32
      %add3A_76 = vector.broadcast %add3A_75 : f32 to vector<2048x256xf32>
      %add3A_77 = arith.addf %max3A_74, %add3A_76 : vector<2048x256xf32>
      %dot_general3A = arith.constant dense<0.000000e+00> : vector<1x256xf32>
      %dot_general3A_78 = tpu.matmul %broadcast_in_dim3A_68, %add3A_77, %dot_general3A {dimension_numbers = #tpu.dot_dimension_numbers<[1], [0], [0], [1], [0, 0, 1, 1], [], []>, transpose_lhs_hint = false} : vector<1x2048xf32>, vector<2048x256xf32>, vector<1x256xf32> -> vector<1x256xf32>
      %mul3A = arith.constant 2 : i32
      %mul3A_79 = arith.muli %mul3A, %arg1 : i32
      %add3A_80 = arith.constant 0 : i32
      %add3A_81 = arith.addi %mul3A_79, %add3A_80 : i32
      %mul3A_82 = arith.constant 256 : i32
      %mul3A_83 = arith.muli %add3A_81, %mul3A_82 : i32
      %swap3A = arith.constant 0 : index
      %swap3A_84 = arith.constant 0 : index
      %swap3A_85 = arith.index_cast %mul3A_83 : i32 to index
      %swap3A_86 = vector.load %arg9[%swap3A, %swap3A_84, %swap3A_85] : memref<2x1x1024xf32, #tpu.memory_space<vmem>>, vector<1x1x256xf32>
      %swap3A_87 = vector.shape_cast %swap3A_86 : vector<1x1x256xf32> to vector<1x256xf32>
      %swap3A_88 = vector.shape_cast %dot_general3A_78 : vector<1x256xf32> to vector<1x1x256xf32>
      tpu.vector_store %arg9[%swap3A, %swap3A_84, %swap3A_85], %swap3A_88 {strides = array<i32>} : memref<2x1x1024xf32, #tpu.memory_space<vmem>>, vector<1x1x256xf32>,
      %get3A_89 = arith.constant 0 : index
      %get3A_90 = arith.constant 0 : index
      %get3A_91 = arith.constant 0 : index
      %get3A_92 = vector.load %arg3[%get3A_89, %get3A_90, %get3A_91] : memref<1x2048x256xf32, #tpu.memory_space<vmem>>, vector<1x2048x256xf32>
      %get3A_93 = vector.shape_cast %get3A_92 : vector<1x2048x256xf32> to vector<2048x256xf32>
      %max3A_94 = arith.constant 0.000000e+00 : f32
      %max3A_95 = vector.broadcast %max3A_94 : f32 to vector<2048x256xf32>
      %max3A_96 = arith.maximumf %get3A_93, %max3A_95 : vector<2048x256xf32>
      %add3A_97 = arith.constant 1.000000e-03 : f32
      %add3A_98 = vector.broadcast %add3A_97 : f32 to vector<2048x256xf32>
      %add3A_99 = arith.addf %max3A_96, %add3A_98 : vector<2048x256xf32>
      %dot_general3A_100 = arith.constant dense<0.000000e+00> : vector<1x256xf32>
      %dot_general3A_101 = tpu.matmul %broadcast_in_dim3A_68, %add3A_99, %dot_general3A_100 {dimension_numbers = #tpu.dot_dimension_numbers<[1], [0], [0], [1], [0, 0, 1, 1], [], []>, transpose_lhs_hint = false} : vector<1x2048xf32>, vector<2048x256xf32>, vector<1x256xf32> -> vector<1x256xf32>
      %mul3A_102 = arith.constant 2 : i32
      %mul3A_103 = arith.muli %mul3A_102, %arg1 : i32
      %add3A_104 = arith.constant 1 : i32
      %add3A_105 = arith.addi %mul3A_103, %add3A_104 : i32
      %mul3A_106 = arith.constant 256 : i32
      %mul3A_107 = arith.muli %add3A_105, %mul3A_106 : i32
      %swap3A_108 = arith.constant 0 : index
      %swap3A_109 = arith.constant 0 : index
      %swap3A_110 = arith.index_cast %mul3A_107 : i32 to index
      %swap3A_111 = vector.load %arg9[%swap3A_108, %swap3A_109, %swap3A_110] : memref<2x1x1024xf32, #tpu.memory_space<vmem>>, vector<1x1x256xf32>
      %swap3A_112 = vector.shape_cast %swap3A_111 : vector<1x1x256xf32> to vector<1x256xf32>
      %swap3A_113 = vector.shape_cast %dot_general3A_101 : vector<1x256xf32> to vector<1x1x256xf32>
      tpu.vector_store %arg9[%swap3A_108, %swap3A_109, %swap3A_110], %swap3A_113 {strides = array<i32>} : memref<2x1x1024xf32, #tpu.memory_space<vmem>>, vector<1x1x256xf32>,
    } else {
    }
    %lt3A_32 = arith.constant 4 : i32
    %lt3A_33 = arith.cmpi slt, %arg0, %lt3A_32 : i32
    %eq3A_34 = arith.constant 1 : i32
    %eq3A_35 = arith.cmpi eq, %select_n3A_7, %eq3A_34 : i32
    %and3A_36 = arith.andi %lt3A_33, %eq3A_35 : i1
    %convert_element_type3A_37 = arith.extui %and3A_36 : i1 to i32
    %cond3A_38 = arith.constant 0 : i32
    %cond3A_39 = arith.cmpi ne, %convert_element_type3A_37, %cond3A_38 : i32
    scf.if %cond3A_39 {
      %broadcast_in_dim3A = arith.constant 1.000000e+00 : f32
      %broadcast_in_dim3A_68 = vector.broadcast %broadcast_in_dim3A : f32 to vector<1x2048xf32>
      %get3A = arith.constant 0 : index
      %get3A_69 = arith.constant 0 : index
      %get3A_70 = arith.constant 0 : index
      %get3A_71 = vector.load %arg2[%get3A, %get3A_69, %get3A_70] : memref<1x2048x256xf32, #tpu.memory_space<vmem>>, vector<1x2048x256xf32>
      %get3A_72 = vector.shape_cast %get3A_71 : vector<1x2048x256xf32> to vector<2048x256xf32>
      %max3A = arith.constant 0.000000e+00 : f32
      %max3A_73 = vector.broadcast %max3A : f32 to vector<2048x256xf32>
      %max3A_74 = arith.maximumf %get3A_72, %max3A_73 : vector<2048x256xf32>
      %add3A_75 = arith.constant 1.000000e-03 : f32
      %add3A_76 = vector.broadcast %add3A_75 : f32 to vector<2048x256xf32>
      %add3A_77 = arith.addf %max3A_74, %add3A_76 : vector<2048x256xf32>
      %dot_general3A = arith.constant dense<0.000000e+00> : vector<1x256xf32>
      %dot_general3A_78 = tpu.matmul %broadcast_in_dim3A_68, %add3A_77, %dot_general3A {dimension_numbers = #tpu.dot_dimension_numbers<[1], [0], [0], [1], [0, 0, 1, 1], [], []>, transpose_lhs_hint = false} : vector<1x2048xf32>, vector<2048x256xf32>, vector<1x256xf32> -> vector<1x256xf32>
      %mul3A = arith.constant 2 : i32
      %mul3A_79 = arith.muli %mul3A, %arg1 : i32
      %add3A_80 = arith.constant 0 : i32
      %add3A_81 = arith.addi %mul3A_79, %add3A_80 : i32
      %mul3A_82 = arith.constant 256 : i32
      %mul3A_83 = arith.muli %add3A_81, %mul3A_82 : i32
      %swap3A = arith.constant 1 : index
      %swap3A_84 = arith.constant 0 : index
      %swap3A_85 = arith.index_cast %mul3A_83 : i32 to index
      %swap3A_86 = vector.load %arg9[%swap3A, %swap3A_84, %swap3A_85] : memref<2x1x1024xf32, #tpu.memory_space<vmem>>, vector<1x1x256xf32>
      %swap3A_87 = vector.shape_cast %swap3A_86 : vector<1x1x256xf32> to vector<1x256xf32>
      %swap3A_88 = vector.shape_cast %dot_general3A_78 : vector<1x256xf32> to vector<1x1x256xf32>
      tpu.vector_store %arg9[%swap3A, %swap3A_84, %swap3A_85], %swap3A_88 {strides = array<i32>} : memref<2x1x1024xf32, #tpu.memory_space<vmem>>, vector<1x1x256xf32>,
      %get3A_89 = arith.constant 0 : index
      %get3A_90 = arith.constant 0 : index
      %get3A_91 = arith.constant 0 : index
      %get3A_92 = vector.load %arg3[%get3A_89, %get3A_90, %get3A_91] : memref<1x2048x256xf32, #tpu.memory_space<vmem>>, vector<1x2048x256xf32>
      %get3A_93 = vector.shape_cast %get3A_92 : vector<1x2048x256xf32> to vector<2048x256xf32>
      %max3A_94 = arith.constant 0.000000e+00 : f32
      %max3A_95 = vector.broadcast %max3A_94 : f32 to vector<2048x256xf32>
      %max3A_96 = arith.maximumf %get3A_93, %max3A_95 : vector<2048x256xf32>
      %add3A_97 = arith.constant 1.000000e-03 : f32
      %add3A_98 = vector.broadcast %add3A_97 : f32 to vector<2048x256xf32>
      %add3A_99 = arith.addf %max3A_96, %add3A_98 : vector<2048x256xf32>
      %dot_general3A_100 = arith.constant dense<0.000000e+00> : vector<1x256xf32>
      %dot_general3A_101 = tpu.matmul %broadcast_in_dim3A_68, %add3A_99, %dot_general3A_100 {dimension_numbers = #tpu.dot_dimension_numbers<[1], [0], [0], [1], [0, 0, 1, 1], [], []>, transpose_lhs_hint = false} : vector<1x2048xf32>, vector<2048x256xf32>, vector<1x256xf32> -> vector<1x256xf32>
      %mul3A_102 = arith.constant 2 : i32
      %mul3A_103 = arith.muli %mul3A_102, %arg1 : i32
      %add3A_104 = arith.constant 1 : i32
      %add3A_105 = arith.addi %mul3A_103, %add3A_104 : i32
      %mul3A_106 = arith.constant 256 : i32
      %mul3A_107 = arith.muli %add3A_105, %mul3A_106 : i32
      %swap3A_108 = arith.constant 1 : index
      %swap3A_109 = arith.constant 0 : index
      %swap3A_110 = arith.index_cast %mul3A_107 : i32 to index
      %swap3A_111 = vector.load %arg9[%swap3A_108, %swap3A_109, %swap3A_110] : memref<2x1x1024xf32, #tpu.memory_space<vmem>>, vector<1x1x256xf32>
      %swap3A_112 = vector.shape_cast %swap3A_111 : vector<1x1x256xf32> to vector<1x256xf32>
      %swap3A_113 = vector.shape_cast %dot_general3A_101 : vector<1x256xf32> to vector<1x1x256xf32>
      tpu.vector_store %arg9[%swap3A_108, %swap3A_109, %swap3A_110], %swap3A_113 {strides = array<i32>} : memref<2x1x1024xf32, #tpu.memory_space<vmem>>, vector<1x1x256xf32>,
    } else {
    }
    %ge3A = arith.constant 1 : i32
    %ge3A_40 = arith.cmpi sge, %arg0, %ge3A : i32
    %eq3A_41 = arith.constant 0 : i32
    %eq3A_42 = arith.cmpi eq, %select_n3A_25, %eq3A_41 : i32
    %and3A_43 = arith.andi %ge3A_40, %eq3A_42 : i1
    %convert_element_type3A_44 = arith.extui %and3A_43 : i1 to i32
    %cond3A_45 = arith.constant 0 : i32
    %cond3A_46 = arith.cmpi ne, %convert_element_type3A_44, %cond3A_45 : i32
    scf.if %cond3A_46 {
      %get3A = arith.constant 0 : index
      %get3A_68 = arith.constant 0 : index
      %get3A_69 = arith.constant 0 : index
      %get3A_70 = vector.load %arg4[%get3A, %get3A_68, %get3A_69] : memref<1x512x1024xf32, #tpu.memory_space<vmem>>, vector<1x512x1024xf32>
      %get3A_71 = vector.shape_cast %get3A_70 : vector<1x512x1024xf32> to vector<512x1024xf32>
      %max3A = arith.constant 0.000000e+00 : f32
      %max3A_72 = vector.broadcast %max3A : f32 to vector<512x1024xf32>
      %max3A_73 = arith.maximumf %get3A_71, %max3A_72 : vector<512x1024xf32>
      %add3A_74 = arith.constant 1.000000e-03 : f32
      %add3A_75 = vector.broadcast %add3A_74 : f32 to vector<512x1024xf32>
      %add3A_76 = arith.addf %max3A_73, %add3A_75 : vector<512x1024xf32>
      %get3A_77 = arith.constant 0 : index
      %get3A_78 = arith.constant 0 : index
      %get3A_79 = arith.constant 0 : index
      %get3A_80 = vector.load %arg9[%get3A_77, %get3A_78, %get3A_79] : memref<2x1x1024xf32, #tpu.memory_space<vmem>>, vector<1x1x1024xf32>
      %get3A_81 = vector.shape_cast %get3A_80 : vector<1x1x1024xf32> to vector<1x1024xf32>
      %dot_general3A = arith.constant dense<0.000000e+00> : vector<1x512xf32>
      %dot_general3A_82 = tpu.matmul %get3A_81, %add3A_76, %dot_general3A {dimension_numbers = #tpu.dot_dimension_numbers<[1], [1], [0], [0], [0, 0, 1, 0], [], []>, transpose_lhs_hint = false} : vector<1x1024xf32>, vector<512x1024xf32>, vector<1x512xf32> -> vector<1x512xf32>
      %mul3A = arith.constant 2 : i32
      %mul3A_83 = arith.muli %mul3A, %arg1 : i32
      %add3A_84 = arith.constant 0 : i32
      %add3A_85 = arith.addi %mul3A_83, %add3A_84 : i32
      %mul3A_86 = arith.constant 512 : i32
      %mul3A_87 = arith.muli %add3A_85, %mul3A_86 : i32
      %swap3A = arith.constant 0 : index
      %swap3A_88 = arith.constant 0 : index
      %swap3A_89 = arith.index_cast %mul3A_87 : i32 to index
      %swap3A_90 = vector.load %arg6[%swap3A, %swap3A_88, %swap3A_89] : memref<1x1x2048xf32, #tpu.memory_space<vmem>>, vector<1x1x512xf32>
      %swap3A_91 = vector.shape_cast %swap3A_90 : vector<1x1x512xf32> to vector<1x512xf32>
      %swap3A_92 = vector.shape_cast %dot_general3A_82 : vector<1x512xf32> to vector<1x1x512xf32>
      tpu.vector_store %arg6[%swap3A, %swap3A_88, %swap3A_89], %swap3A_92 {strides = array<i32>} : memref<1x1x2048xf32, #tpu.memory_space<vmem>>, vector<1x1x512xf32>,
      %get3A_93 = arith.constant 0 : index
      %get3A_94 = arith.constant 0 : index
      %get3A_95 = arith.constant 0 : index
      %get3A_96 = vector.load %arg5[%get3A_93, %get3A_94, %get3A_95] : memref<1x512x1024xf32, #tpu.memory_space<vmem>>, vector<1x512x1024xf32>
      %get3A_97 = vector.shape_cast %get3A_96 : vector<1x512x1024xf32> to vector<512x1024xf32>
      %max3A_98 = arith.constant 0.000000e+00 : f32
      %max3A_99 = vector.broadcast %max3A_98 : f32 to vector<512x1024xf32>
      %max3A_100 = arith.maximumf %get3A_97, %max3A_99 : vector<512x1024xf32>
      %add3A_101 = arith.constant 1.000000e-03 : f32
      %add3A_102 = vector.broadcast %add3A_101 : f32 to vector<512x1024xf32>
      %add3A_103 = arith.addf %max3A_100, %add3A_102 : vector<512x1024xf32>
      %get3A_104 = arith.constant 0 : index
      %get3A_105 = arith.constant 0 : index
      %get3A_106 = arith.constant 0 : index
      %get3A_107 = vector.load %arg9[%get3A_104, %get3A_105, %get3A_106] : memref<2x1x1024xf32, #tpu.memory_space<vmem>>, vector<1x1x1024xf32>
      %get3A_108 = vector.shape_cast %get3A_107 : vector<1x1x1024xf32> to vector<1x1024xf32>
      %dot_general3A_109 = arith.constant dense<0.000000e+00> : vector<1x512xf32>
      %dot_general3A_110 = tpu.matmul %get3A_108, %add3A_103, %dot_general3A_109 {dimension_numbers = #tpu.dot_dimension_numbers<[1], [1], [0], [0], [0, 0, 1, 0], [], []>, transpose_lhs_hint = false} : vector<1x1024xf32>, vector<512x1024xf32>, vector<1x512xf32> -> vector<1x512xf32>
      %mul3A_111 = arith.constant 2 : i32
      %mul3A_112 = arith.muli %mul3A_111, %arg1 : i32
      %add3A_113 = arith.constant 1 : i32
      %add3A_114 = arith.addi %mul3A_112, %add3A_113 : i32
      %mul3A_115 = arith.constant 512 : i32
      %mul3A_116 = arith.muli %add3A_114, %mul3A_115 : i32
      %swap3A_117 = arith.constant 0 : index
      %swap3A_118 = arith.constant 0 : index
      %swap3A_119 = arith.index_cast %mul3A_116 : i32 to index
      %swap3A_120 = vector.load %arg6[%swap3A_117, %swap3A_118, %swap3A_119] : memref<1x1x2048xf32, #tpu.memory_space<vmem>>, vector<1x1x512xf32>
      %swap3A_121 = vector.shape_cast %swap3A_120 : vector<1x1x512xf32> to vector<1x512xf32>
      %swap3A_122 = vector.shape_cast %dot_general3A_110 : vector<1x512xf32> to vector<1x1x512xf32>
      tpu.vector_store %arg6[%swap3A_117, %swap3A_118, %swap3A_119], %swap3A_122 {strides = array<i32>} : memref<1x1x2048xf32, #tpu.memory_space<vmem>>, vector<1x1x512xf32>,
    } else {
    }
    %ge3A_47 = arith.constant 1 : i32
    %ge3A_48 = arith.cmpi sge, %arg0, %ge3A_47 : i32
    %eq3A_49 = arith.constant 1 : i32
    %eq3A_50 = arith.cmpi eq, %select_n3A_25, %eq3A_49 : i32
    %and3A_51 = arith.andi %ge3A_48, %eq3A_50 : i1
    %convert_element_type3A_52 = arith.extui %and3A_51 : i1 to i32
    %cond3A_53 = arith.constant 0 : i32
    %cond3A_54 = arith.cmpi ne, %convert_element_type3A_52, %cond3A_53 : i32
    scf.if %cond3A_54 {
      %get3A = arith.constant 0 : index
      %get3A_68 = arith.constant 0 : index
      %get3A_69 = arith.constant 0 : index
      %get3A_70 = vector.load %arg4[%get3A, %get3A_68, %get3A_69] : memref<1x512x1024xf32, #tpu.memory_space<vmem>>, vector<1x512x1024xf32>
      %get3A_71 = vector.shape_cast %get3A_70 : vector<1x512x1024xf32> to vector<512x1024xf32>
      %max3A = arith.constant 0.000000e+00 : f32
      %max3A_72 = vector.broadcast %max3A : f32 to vector<512x1024xf32>
      %max3A_73 = arith.maximumf %get3A_71, %max3A_72 : vector<512x1024xf32>
      %add3A_74 = arith.constant 1.000000e-03 : f32
      %add3A_75 = vector.broadcast %add3A_74 : f32 to vector<512x1024xf32>
      %add3A_76 = arith.addf %max3A_73, %add3A_75 : vector<512x1024xf32>
      %get3A_77 = arith.constant 1 : index
      %get3A_78 = arith.constant 0 : index
      %get3A_79 = arith.constant 0 : index
      %get3A_80 = vector.load %arg9[%get3A_77, %get3A_78, %get3A_79] : memref<2x1x1024xf32, #tpu.memory_space<vmem>>, vector<1x1x1024xf32>
      %get3A_81 = vector.shape_cast %get3A_80 : vector<1x1x1024xf32> to vector<1x1024xf32>
      %dot_general3A = arith.constant dense<0.000000e+00> : vector<1x512xf32>
      %dot_general3A_82 = tpu.matmul %get3A_81, %add3A_76, %dot_general3A {dimension_numbers = #tpu.dot_dimension_numbers<[1], [1], [0], [0], [0, 0, 1, 0], [], []>, transpose_lhs_hint = false} : vector<1x1024xf32>, vector<512x1024xf32>, vector<1x512xf32> -> vector<1x512xf32>
      %mul3A = arith.constant 2 : i32
      %mul3A_83 = arith.muli %mul3A, %arg1 : i32
      %add3A_84 = arith.constant 0 : i32
      %add3A_85 = arith.addi %mul3A_83, %add3A_84 : i32
      %mul3A_86 = arith.constant 512 : i32
      %mul3A_87 = arith.muli %add3A_85, %mul3A_86 : i32
      %swap3A = arith.constant 0 : index
      %swap3A_88 = arith.constant 0 : index
      %swap3A_89 = arith.index_cast %mul3A_87 : i32 to index
      %swap3A_90 = vector.load %arg6[%swap3A, %swap3A_88, %swap3A_89] : memref<1x1x2048xf32, #tpu.memory_space<vmem>>, vector<1x1x512xf32>
      %swap3A_91 = vector.shape_cast %swap3A_90 : vector<1x1x512xf32> to vector<1x512xf32>
      %swap3A_92 = vector.shape_cast %dot_general3A_82 : vector<1x512xf32> to vector<1x1x512xf32>
      tpu.vector_store %arg6[%swap3A, %swap3A_88, %swap3A_89], %swap3A_92 {strides = array<i32>} : memref<1x1x2048xf32, #tpu.memory_space<vmem>>, vector<1x1x512xf32>,
      %get3A_93 = arith.constant 0 : index
      %get3A_94 = arith.constant 0 : index
      %get3A_95 = arith.constant 0 : index
      %get3A_96 = vector.load %arg5[%get3A_93, %get3A_94, %get3A_95] : memref<1x512x1024xf32, #tpu.memory_space<vmem>>, vector<1x512x1024xf32>
      %get3A_97 = vector.shape_cast %get3A_96 : vector<1x512x1024xf32> to vector<512x1024xf32>
      %max3A_98 = arith.constant 0.000000e+00 : f32
      %max3A_99 = vector.broadcast %max3A_98 : f32 to vector<512x1024xf32>
      %max3A_100 = arith.maximumf %get3A_97, %max3A_99 : vector<512x1024xf32>
      %add3A_101 = arith.constant 1.000000e-03 : f32
      %add3A_102 = vector.broadcast %add3A_101 : f32 to vector<512x1024xf32>
      %add3A_103 = arith.addf %max3A_100, %add3A_102 : vector<512x1024xf32>
      %get3A_104 = arith.constant 1 : index
      %get3A_105 = arith.constant 0 : index
      %get3A_106 = arith.constant 0 : index
      %get3A_107 = vector.load %arg9[%get3A_104, %get3A_105, %get3A_106] : memref<2x1x1024xf32, #tpu.memory_space<vmem>>, vector<1x1x1024xf32>
      %get3A_108 = vector.shape_cast %get3A_107 : vector<1x1x1024xf32> to vector<1x1024xf32>
      %dot_general3A_109 = arith.constant dense<0.000000e+00> : vector<1x512xf32>
      %dot_general3A_110 = tpu.matmul %get3A_108, %add3A_103, %dot_general3A_109 {dimension_numbers = #tpu.dot_dimension_numbers<[1], [1], [0], [0], [0, 0, 1, 0], [], []>, transpose_lhs_hint = false} : vector<1x1024xf32>, vector<512x1024xf32>, vector<1x512xf32> -> vector<1x512xf32>
      %mul3A_111 = arith.constant 2 : i32
      %mul3A_112 = arith.muli %mul3A_111, %arg1 : i32
      %add3A_113 = arith.constant 1 : i32
      %add3A_114 = arith.addi %mul3A_112, %add3A_113 : i32
      %mul3A_115 = arith.constant 512 : i32
      %mul3A_116 = arith.muli %add3A_114, %mul3A_115 : i32
      %swap3A_117 = arith.constant 0 : index
      %swap3A_118 = arith.constant 0 : index
      %swap3A_119 = arith.index_cast %mul3A_116 : i32 to index
      %swap3A_120 = vector.load %arg6[%swap3A_117, %swap3A_118, %swap3A_119] : memref<1x1x2048xf32, #tpu.memory_space<vmem>>, vector<1x1x512xf32>
      %swap3A_121 = vector.shape_cast %swap3A_120 : vector<1x1x512xf32> to vector<1x512xf32>
      %swap3A_122 = vector.shape_cast %dot_general3A_110 : vector<1x512xf32> to vector<1x1x512xf32>
      tpu.vector_store %arg6[%swap3A_117, %swap3A_118, %swap3A_119], %swap3A_122 {strides = array<i32>} : memref<1x1x2048xf32, #tpu.memory_space<vmem>>, vector<1x1x512xf32>,
    } else {
    }
    %ge3A_55 = arith.constant 1 : i32
    %ge3A_56 = arith.cmpi sge, %arg0, %ge3A_55 : i32
    %convert_element_type3A_57 = arith.extui %ge3A_56 : i1 to i32
    %cond3A_58 = arith.constant 0 : i32
    %cond3A_59 = arith.cmpi ne, %convert_element_type3A_57, %cond3A_58 : i32
    scf.if %cond3A_59 {
      %broadcast_in_dim3A = arith.constant 0.000000e+00 : f32
      %broadcast_in_dim3A_68 = vector.broadcast %broadcast_in_dim3A : f32 to vector<1x1024x1024xf32>
      %swap3A = arith.constant 0 : index
      %swap3A_69 = arith.constant 0 : index
      %swap3A_70 = arith.constant 0 : index
      %swap3A_71 = vector.load %arg8[%swap3A, %swap3A_69, %swap3A_70] : memref<1x1024x1024xf32, #tpu.memory_space<vmem>>, vector<1x1024x1024xf32>
      tpu.vector_store %arg8[%swap3A, %swap3A_69, %swap3A_70], %broadcast_in_dim3A_68 {strides = array<i32>} : memref<1x1024x1024xf32, #tpu.memory_space<vmem>>, vector<1x1024x1024xf32>,
    } else {
    }
    %ge3A_60 = arith.constant 1 : i32
    %ge3A_61 = arith.cmpi sge, %arg0, %ge3A_60 : i32
    %eq3A_62 = arith.constant 1 : i32
    %eq3A_63 = arith.cmpi eq, %arg1, %eq3A_62 : i32
    %and3A_64 = arith.andi %ge3A_61, %eq3A_63 : i1
    %convert_element_type3A_65 = arith.extui %and3A_64 : i1 to i32
    %cond3A_66 = arith.constant 0 : i32
    %cond3A_67 = arith.cmpi ne, %convert_element_type3A_65, %cond3A_66 : i32
    scf.if %cond3A_67 {
      %get3A = arith.constant 0 : index
      %get3A_68 = arith.constant 0 : index
      %get3A_69 = arith.constant 0 : index
      %get3A_70 = vector.load %arg6[%get3A, %get3A_68, %get3A_69] : memref<1x1x2048xf32, #tpu.memory_space<vmem>>, vector<1x1x2048xf32>
      %get3A_71 = vector.shape_cast %get3A_70 : vector<1x1x2048xf32> to vector<1x2048xf32>
      %bitcast_convert_type3A = tpu.bitcast %get3A_71 : vector<1x2048xf32> -> vector<1x2048xi32>
      %ge3A_72 = arith.constant 0 : i32
      %ge3A_73 = vector.broadcast %ge3A_72 : i32 to vector<1x2048xi32>
      %ge3A_74 = arith.cmpi sge, %bitcast_convert_type3A, %ge3A_73 : vector<1x2048xi32>
      %not3A = arith.constant dense<-1> : vector<1x2048xi32>
      %not3A_75 = arith.xori %bitcast_convert_type3A, %not3A : vector<1x2048xi32>
      %xor3A = arith.constant -2147483648 : i32
      %xor3A_76 = vector.broadcast %xor3A : i32 to vector<1x2048xi32>
      %xor3A_77 = arith.xori %not3A_75, %xor3A_76 : vector<1x2048xi32>
      %select_n3A_78 = arith.select %ge3A_74, %bitcast_convert_type3A, %xor3A_77 : vector<1x2048xi1>, vector<1x2048xi32>
      %scan3A = arith.constant -2147483648 : i32
      %scan3A_79 = arith.constant 2147483647 : i32
      %scan3A_80 = arith.constant 0 : i32
      %scan3A_81 = arith.constant 32 : i32
      %scan3A_82 = arith.addi %scan3A_80, %scan3A_81 : i32
      %scan3A_83 = arith.constant 1 : i32
      %scan3A_84:2 = scf.for %scan3A_96 = %scan3A_80 to %scan3A_82 step %scan3A_83 iter_args(%scan3A_97 = %scan3A, %scan3A_98 = %scan3A_79) -> (i32, i32)  : i32 {
        %shift_right_arithmetic3A = arith.constant 1 : i32
        %shift_right_arithmetic3A_99 = arith.shrsi %scan3A_97, %shift_right_arithmetic3A : i32
        %shift_right_arithmetic3A_100 = arith.constant 1 : i32
        %shift_right_arithmetic3A_101 = arith.shrsi %scan3A_98, %shift_right_arithmetic3A_100 : i32
        %add3A_102 = arith.addi %shift_right_arithmetic3A_99, %shift_right_arithmetic3A_101 : i32
        %and3A_103 = arith.andi %scan3A_97, %scan3A_98 : i32
        %and3A_104 = arith.constant 1 : i32
        %and3A_105 = arith.andi %and3A_103, %and3A_104 : i32
        %add3A_106 = arith.addi %add3A_102, %and3A_105 : i32
        %gt3A = vector.broadcast %add3A_106 : i32 to vector<1x2048xi32>
        %gt3A_107 = arith.cmpi sgt, %select_n3A_78, %gt3A : vector<1x2048xi32>
        %convert_element_type3A_108 = arith.extui %gt3A_107 : vector<1x2048xi1> to vector<1x2048xi32>
        %reduce_sum3A = vector.shape_cast %convert_element_type3A_108 : vector<1x2048xi32> to vector<1x1x2048xi32>
        %reduce_sum3A_109 = arith.constant dense<0> : vector<1xi32>
        %reduce_sum3A_110 = vector.multi_reduction <add>, %reduce_sum3A, %reduce_sum3A_109 [1, 2] : vector<1x1x2048xi32> to vector<1xi32>
        %reduce_sum3A_111 = vector.shape_cast %reduce_sum3A_110 : vector<1xi32> to vector<1x1x1xi32>
        %reduce_sum3A_112 = vector.extract %reduce_sum3A_111[0, 0, 0] : i32 from vector<1x1x1xi32>
        %le3A = arith.constant 128 : i32
        %le3A_113 = arith.cmpi sle, %reduce_sum3A_112, %le3A : i32
        %add3A_114 = arith.constant 1 : i32
        %add3A_115 = arith.addi %add3A_106, %add3A_114 : i32
        %select_n3A_116 = arith.select %le3A_113, %scan3A_97, %add3A_115 : i32
        %select_n3A_117 = arith.select %le3A_113, %add3A_106, %scan3A_98 : i32
        scf.yield %select_n3A_116, %select_n3A_117 : i32, i32
      }
      %ge3A_85 = arith.constant 0 : i32
      %ge3A_86 = arith.cmpi sge, %scan3A_84#0, %ge3A_85 : i32
      %xor3A_87 = arith.constant -2147483648 : i32
      %xor3A_88 = arith.xori %scan3A_84#0, %xor3A_87 : i32
      %not3A_89 = arith.constant -1 : i32
      %not3A_90 = arith.xori %xor3A_88, %not3A_89 : i32
      %select_n3A_91 = arith.select %ge3A_86, %scan3A_84#0, %not3A_90 : i32
      %bitcast_convert_type3A_92 = arith.bitcast %select_n3A_91 : i32 to f32
      %broadcast_in_dim3A = vector.broadcast %bitcast_convert_type3A_92 : f32 to vector<1x1x128xf32>
      %swap3A = arith.constant 0 : index
      %swap3A_93 = arith.constant 0 : index
      %swap3A_94 = arith.constant 0 : index
      %swap3A_95 = vector.load %arg7[%swap3A, %swap3A_93, %swap3A_94] : memref<1x1x128xf32, #tpu.memory_space<vmem>>, vector<1x1x128xf32>
      tpu.vector_store %arg7[%swap3A, %swap3A_93, %swap3A_94], %broadcast_in_dim3A {strides = array<i32>} : memref<1x1x128xf32, #tpu.memory_space<vmem>>, vector<1x1x128xf32>,
    } else {
    }
    return
  }
  func.func @transform_0(%arg0: i32, %arg1: i32) -> (i32, i32, i32) {
    %min3A = arith.constant 3 : i32
    %min3A_0 = arith.minsi %arg0, %min3A : i32
    %lt3A = arith.constant 4 : i32
    %lt3A_1 = arith.cmpi slt, %arg0, %lt3A : i32
    %mul3A = arith.constant 2 : i32
    %mul3A_2 = arith.muli %mul3A, %arg1 : i32
    %add3A = arith.constant 0 : i32
    %add3A_3 = arith.addi %mul3A_2, %add3A : i32
    %jit3A = arith.constant 2 : i32
    %select_n3A = arith.select %lt3A_1, %add3A_3, %jit3A : i32
    %c0_i32 = arith.constant 0 : i32
    %c0_i32_4 = arith.constant 0 : i32
    return %min3A_0, %c0_i32, %select_n3A : i32, i32, i32
  }
  func.func @transform_1(%arg0: i32, %arg1: i32) -> (i32, i32, i32) {
    %min3A = arith.constant 3 : i32
    %min3A_0 = arith.minsi %arg0, %min3A : i32
    %lt3A = arith.constant 4 : i32
    %lt3A_1 = arith.cmpi slt, %arg0, %lt3A : i32
    %mul3A = arith.constant 2 : i32
    %mul3A_2 = arith.muli %mul3A, %arg1 : i32
    %add3A = arith.constant 1 : i32
    %add3A_3 = arith.addi %mul3A_2, %add3A : i32
    %jit3A = arith.constant 3 : i32
    %select_n3A = arith.select %lt3A_1, %add3A_3, %jit3A : i32
    %c0_i32 = arith.constant 0 : i32
    %c0_i32_4 = arith.constant 0 : i32
    return %min3A_0, %c0_i32, %select_n3A : i32, i32, i32
  }
  func.func @transform_2(%arg0: i32, %arg1: i32) -> (i32, i32, i32) {
    %sub3A = arith.constant 1 : i32
    %sub3A_0 = arith.subi %arg0, %sub3A : i32
    %jit3A = arith.constant 0 : i32
    %jit3A_1 = arith.constant 3 : i32
    %max3A = arith.maxsi %jit3A, %sub3A_0 : i32
    %min3A = arith.minsi %jit3A_1, %max3A : i32
    %lt3A = arith.constant 1 : i32
    %lt3A_2 = arith.cmpi slt, %arg0, %lt3A : i32
    %mul3A = arith.constant 2 : i32
    %mul3A_3 = arith.muli %mul3A, %arg1 : i32
    %add3A = arith.constant 0 : i32
    %add3A_4 = arith.addi %mul3A_3, %add3A : i32
    %jit3A_5 = arith.constant 0 : i32
    %select_n3A = arith.select %lt3A_2, %jit3A_5, %add3A_4 : i32
    %c0_i32 = arith.constant 0 : i32
    %c0_i32_6 = arith.constant 0 : i32
    return %min3A, %select_n3A, %c0_i32 : i32, i32, i32
  }
  func.func @transform_3(%arg0: i32, %arg1: i32) -> (i32, i32, i32) {
    %sub3A = arith.constant 1 : i32
    %sub3A_0 = arith.subi %arg0, %sub3A : i32
    %jit3A = arith.constant 0 : i32
    %jit3A_1 = arith.constant 3 : i32
    %max3A = arith.maxsi %jit3A, %sub3A_0 : i32
    %min3A = arith.minsi %jit3A_1, %max3A : i32
    %lt3A = arith.constant 1 : i32
    %lt3A_2 = arith.cmpi slt, %arg0, %lt3A : i32
    %mul3A = arith.constant 2 : i32
    %mul3A_3 = arith.muli %mul3A, %arg1 : i32
    %add3A = arith.constant 1 : i32
    %add3A_4 = arith.addi %mul3A_3, %add3A : i32
    %jit3A_5 = arith.constant 1 : i32
    %select_n3A = arith.select %lt3A_2, %jit3A_5, %add3A_4 : i32
    %c0_i32 = arith.constant 0 : i32
    %c0_i32_6 = arith.constant 0 : i32
    return %min3A, %select_n3A, %c0_i32 : i32, i32, i32
  }
  func.func @transform_4(%arg0: i32, %arg1: i32) -> (i32, i32, i32) {
    %sub3A = arith.constant 1 : i32
    %sub3A_0 = arith.subi %arg0, %sub3A : i32
    %jit3A = arith.constant 0 : i32
    %jit3A_1 = arith.constant 3 : i32
    %max3A = arith.maxsi %jit3A, %sub3A_0 : i32
    %min3A = arith.minsi %jit3A_1, %max3A : i32
    %c0_i32 = arith.constant 0 : i32
    %c0_i32_2 = arith.constant 0 : i32
    %c0_i32_3 = arith.constant 0 : i32
    return %min3A, %c0_i32, %c0_i32_2 : i32, i32, i32
  }
  func.func @transform_5(%arg0: i32, %arg1: i32) -> (i32, i32, i32) {
    %sub3A = arith.constant 1 : i32
    %sub3A_0 = arith.subi %arg0, %sub3A : i32
    %jit3A = arith.constant 0 : i32
    %jit3A_1 = arith.constant 3 : i32
    %max3A = arith.maxsi %jit3A, %sub3A_0 : i32
    %min3A = arith.minsi %jit3A_1, %max3A : i32
    %c0_i32 = arith.constant 0 : i32
    %c0_i32_2 = arith.constant 0 : i32
    %c0_i32_3 = arith.constant 0 : i32
    return %min3A, %c0_i32, %c0_i32_2 : i32, i32, i32
  }
  func.func @transform_6(%arg0: i32, %arg1: i32) -> (i32, i32, i32) {
    %sub3A = arith.constant 1 : i32
    %sub3A_0 = arith.subi %arg0, %sub3A : i32
    %jit3A = arith.constant 0 : i32
    %jit3A_1 = arith.constant 3 : i32
    %max3A = arith.maxsi %jit3A, %sub3A_0 : i32
    %min3A = arith.minsi %jit3A_1, %max3A : i32
    %lt3A = arith.constant 1 : i32
    %lt3A_2 = arith.cmpi slt, %arg0, %lt3A : i32
    %jit3A_3 = arith.constant 0 : i32
    %select_n3A = arith.select %lt3A_2, %jit3A_3, %arg1 : i32
    %c0_i32 = arith.constant 0 : i32
    %c0_i32_4 = arith.constant 0 : i32
    return %min3A, %select_n3A, %c0_i32 : i32, i32, i32
  }
}

</mosaic_0001>

<sc_bundles>
// kernel: _.3.cloned.1.call-start
scs
__scs_entry_jumppad:
0x0: {  	(pc) =	sbr.rel $0x88, $3  }
0x1: {  	(tag) =	ssettag $0x0;
	lr =	simm.s32 $0x1  }
0x2: {  	[smem:$0x3F9E] =	sst lr;
	_ =	strace $0xD0000000  }
0x3: {  	_ = 	snop  }
0x4: {  	_ = 	snop  }
0x5: {  	_ = 	snop  }
0x6: {  	_ = 	snop  }
0x7: {  	_ = 	snop  }
__scs_overlays_trampoline_lowered:
0x8: {  	[smem:$0x3FAD] =	sst s0  }
0x9: {  	[smem:$0x3FAE] =	sst s1  }
0xa: {  	[smem:$0x3FAF] =	sst s2  }
0xb: {  	[smem:$0x3FB0] =	sst s3  }
0xc: {  	[smem:$0x3FB1] =	sst s4  }
0xd: {  	[smem:$0x3FB2] =	sst s5  }
0xe: {  	[smem:$0x3FB3] =	sst s6  }
0xf: {  	[smem:$0x3FB4] =	sst s7  }
0x10: {  	[smem:$0x3FB5] =	sst s8  }
0x11: {  	[smem:$0x3FB6] =	sst s9;
	s0 =	simm.s32 @!p0 $0x0  }
0x12: {  	s1 =	sld [smem:$0x3F9C];
	s0 =	simm.s32 @p0 $0x1  }
0x13: {  	[smem:$0x3FB7] =	sst s0;
	s0 =	simm.s32 @!p1 $0x0  }
0x14: {  	s2 =	sld [smem:$0x3F9B];
	s0 =	simm.s32 @p1 $0x1  }
0x15: {  	[smem:$0x3FB8] =	sst s0;
	s0 =	simm.s32 @!p2 $0x0  }
0x16: {  	s3 =	sld [smem:$0x3FDB];
	s0 =	simm.s32 @p2 $0x1  }
0x17: {  	s4 =	simm.s32 $0x1BF5;
	[smem:$0x3FBA] =	sst s0  }
0x18: {  	s0 =	sld [smem:$0x3F9D];
	_ =	swait.ge [sflag:s4], $0x0  }
0x19: {  	s7 =	sld [smem:$0x3F9E]  }
0x1a: {  	s8 =	sadd.s32 $0xFFFFE003, lr  }
0x1b: {  	s9 =	sadd.s32 $0xFFFFFEF7, lr;
	s5 =	simm.s32 $0xFFFFFFFF;
	p2 =	slt.u32 s8, $0xFFFFF086  }
0x1c: {  	p1 =	slt.u32 s9, $0xF7A;
	s5 =	simm.s32 @!p2 $0x0  }
0x1d: {  	s5 =	simm.s32 @p1 $0x1;
	p0 =	seq.s32 s7, s2  }
0x1e: {  	s7 =	smul.u32 @!p0 $0xF7A, s2;
	p2 =	seq.s32 @!p0 s5, $0x0  }
0x1f: {  	s9 =	smul.u32 $0xF7A, s1;
	s8 =	simm.s32 @!p0 $0x1BF5;
	p2 =	por !p2, p0  }
0x20: {  	[sflag:s8] =	ssyncset.s32 @!p0 $0xFFFFF086;
	s6 =	sadd.s32 @!p0 s3, s7;
	s7 =	simm.s32 @!p0 $0x108  }
0x21: {  	s3 =	sadd.s32 s3, s9;
	s6 =	sadd.s32 @!p0 $0x88, s6;
	s7 =	simm.s32 @p2 $0x1082  }
0x22: {  	[simem:s7], [sflag:s8] =	dma.local @!p0 [hbm:s6], $0xF7A  }
0x23: {  	s9 =	sor.u32 $0xD0000000, s2;
	s6 =	simm.s32 $0x108;
	_ =	swait.ge @!p0 [sflag:s8], $0x0  }
0x24: {  	s3 =	sadd.s32 $0x88, s3;
	s6 =	simm.s32 @!p1 $0x1082;
	[sflag:s4] =	ssyncset.s32 $0xFFFFF086  }
0x25: {  	[simem:s6], [sflag:s4] =	dma.local [hbm:s3], $0xF7A  }
0x26: {  	[smem:$0x3F9E] =	sst s1;
	(tag) =	ssettag s2;
	_ =	strace s9  }
0x27: {  	s1 =	sld [smem:$0x3FAE]  }
0x28: {  	s2 =	sld [smem:$0x3FAF]  }
0x29: {  	s4 =	sld [smem:$0x3FB1]  }
0x2a: {  	p0 =	seq.s32 s5, $0x0;
	s5 =	sld [smem:$0x3FB2]  }
0x2b: {  	s6 =	sld [smem:$0x3FB3]  }
0x2c: {  	s7 =	sld [smem:$0x3FB4]  }
0x2d: {  	s3 =	simm.s32 $0x108;
	s8 =	sld [smem:$0x3FB5]  }
0x2e: {  	s3 =	simm.s32 @!p0 $0x1082;
	s9 =	sld [smem:$0x3FB6]  }
0x2f: {  	lr =	sadd.s32 s0, s3;
	s0 =	sld [smem:$0x3FAD]  }
0x30: {  	s3 =	sld [smem:$0x3FB0]  }
0x31: {  	[smem:$0x3FB9] =	sst s10  }
0x32: {  	s10 =	sld [smem:$0x3FB7];
	_ =	sdelay $0x3  }
0x33: {  	p0 =	seq.s32 s10, $0x1;
	s10 =	sld [smem:$0x3FB9];
	_ =	sdelay $0x3  }
0x34: {  	[smem:$0x3FB9] =	sst s10  }
0x35: {  	s10 =	sld [smem:$0x3FB8];
	_ =	sdelay $0x3  }
0x36: {  	p1 =	seq.s32 s10, $0x1;
	s10 =	sld [smem:$0x3FB9];
	_ =	sdelay $0x3  }
0x37: {  	[smem:$0x3FB9] =	sst s10  }
0x38: {  	s10 =	sld [smem:$0x3FBA]  }
0x39: {  	_ = 	snop;
	(pc) =	sbr.ind lr, $3  }
0x3a: {  	_ = 	snop  }
0x3b: {  	_ = 	snop  }
0x3c: {  	p2 =	seq.s32 s10, $0x1;
	s10 =	sld [smem:$0x3FB9]  }
0x3d: {  	_ =	shalt  }
0x3e: {  	_ =	shalt  }
0x3f: {  	_ =	shalt  }
0x40: {  	_ =	shalt  }
0x41: {  	_ =	shalt  }
0x42: {  	_ =	shalt  }
0x43: {  	_ =	shalt  }
0x44: {  	_ =	shalt  }
0x45: {  	_ =	shalt  }
0x46: {  	_ =	shalt  }
0x47: {  	_ =	shalt  }
0x48: {  	_ =	shalt  }
0x49: {  	_ =	shalt  }
0x4a: {  	_ =	shalt  }
0x4b: {  	_ =	shalt  }
0x4c: {  	_ =	shalt  }
0x4d: {  	_ =	shalt  }
0x4e: {  	_ =	shalt  }
0x4f: {  	_ =	shalt  }
0x50: {  	_ =	shalt  }
0x51: {  	_ =	shalt  }
0x52: {  	_ =	shalt  }
0x53: {  	_ =	shalt  }
0x54: {  	_ =	shalt  }
0x55: {  	_ =	shalt  }
0x56: {  	_ =	shalt  }
0x57: {  	_ =	shalt  }
0x58: {  	_ =	shalt  }
0x59: {  	_ =	shalt  }
0x5a: {  	_ =	shalt  }
0x5b: {  	_ =	shalt  }
0x5c: {  	_ =	shalt  }
0x5d: {  	_ =	shalt  }
0x5e: {  	_ =	shalt  }
0x5f: {  	_ =	shalt  }
0x60: {  	_ =	shalt  }
0x61: {  	_ =	shalt  }
0x62: {  	_ =	shalt  }
0x63: {  	_ =	shalt  }
0x64: {  	_ =	shalt  }
0x65: {  	_ =	shalt  }
0x66: {  	_ =	shalt  }
0x67: {  	_ =	shalt  }
0x68: {  	_ =	shalt  }
0x69: {  	_ =	shalt  }
0x6a: {  	_ =	shalt  }
0x6b: {  	_ =	shalt  }
0x6c: {  	_ =	shalt  }
0x6d: {  	_ =	shalt  }
0x6e: {  	_ =	shalt  }
0x6f: {  	_ =	shalt  }
0x70: {  	_ =	shalt  }
0x71: {  	_ =	shalt  }
0x72: {  	_ =	shalt  }
0x73: {  	_ =	shalt  }
0x74: {  	_ =	shalt  }
0x75: {  	_ =	shalt  }
0x76: {  	_ =	shalt  }
0x77: {  	_ =	shalt  }
0x78: {  	_ =	shalt  }
0x79: {  	_ =	shalt  }
0x7a: {  	_ =	shalt  }
0x7b: {  	_ =	shalt  }
0x7c: {  	_ =	shalt  }
0x7d: {  	_ =	shalt  }
0x7e: {  	_ =	shalt  }
0x7f: {  	_ =	shalt  }
0x80: {  	_ =	shalt  }
0x81: {  	_ =	shalt  }
0x82: {  	_ =	shalt  }
0x83: {  	_ =	shalt  }
0x84: {  	_ =	shalt  }
0x85: {  	_ =	shalt  }
0x86: {  	_ =	shalt  }
0x87: {  	_ =	shalt  }
.Lfunc_end0:
.L_simem_size_0:
called_computation_lowered:
.L_overlay_start_0:
0x88: {  	s2 =	sld [smem:$0x3FD9]  }
0x89: {  	s3 =	sld [smem:$0x3FFE];
	_ =	sdelay $0x1  }
0x8a: {  	s1 =	srdreg.scid  }
0x8b: {  	s0 =	sand.u32 $0x1, s1  }
0x8c: {  	s17 =	sshll.u32 s0, $0xA;
	s2 =	sadd.s32 s3, s2  }
0x8d: {  	s2 =	sadd.s32 s2, s17  }
0x8e: {  	[smem:$0x3FC5] =	sst s2  }
0x8f: {  	_ = 	snop  }
0x90: {  	s2 =	sld [smem:$0x3FC7]  }
0x91: {  	s18 =	sld [smem:$0x3FD0];
	(tm) =	ssettm $0x1  }
0x92: {  	s4 =	sld [smem:$0x3FFB];
	_ =	sdelay $0x3  }
0x93: {  	_ =	strace s4  }
0x94: {  	s4 =	sld [smem:$0x3FFC];
	_ =	sdelay $0x3  }
0x95: {  	_ =	strace s4  }
0x96: {  	s4 =	sld [smem:$0x3FFD];
	_ =	sdelay $0x3  }
0x97: {  	_ =	strace s4  }
0x98: {  	_ =	strace $0x8FFFFFFF  }
0x99: {  	s19 =	sld [smem:$0x3FDB];
	_ =	sdelay $0x1  }
0x9a: {  	s5 =	simm.s32 $_scs_section_size  }
0x9b: {  	s6 =	simm.s32 $_size__tile_overlayer_lowered;
	s7 =	simm.s32 $_tile_overlayer_lowered  }
0x9c: {  	s22 =	simm.s32 $0x1BFF;
	s21 =	sshll.u32 s7, $0x1;
	s4 =	sadd.s32 s5, s19  }
0x9d: {  	s8 =	simm.s32 $0x0;
	s20 =	sshll.u32 s6, $0x1;
	s6 =	sadd.s32 s21, s4  }
0x9e: {  	[timem:s8], [sflag:s22] =	dma.local [hbm:s6], s20  }
0x9f: {  	_ =	swait.ge [sflag:s22], s20  }
0xa0: {  	s5 =	ssub.s32 $0x0, s20;
	[sflag:s22] =	ssyncset.done $0x0  }
0xa1: {  	[sflag:s22] =	ssyncadd.s32 s5;
	_ =	sdelay $0x1  }
0xa2: {  	s23 =	simm.s32 $0x1B8B  }
0xa3: {  	_ =	swait.ge [sflag:s23], $0x1  }
0xa4: {  	[sflag:s23] =	ssyncset.done $0x0  }
0xa5: {  	s25 =	simm.s32 $0x1B8E;
	s24 =	sld [smem:$0x3FFE];
	[sflag:s23] =	ssyncadd.s32 $0xFFFFFFFF  }
0xa6: {  	s26 =	simm.s32 $execute0_lowered;
	[smem:$0x3FD2] =	sst s25  }
0xa7: {  	s6 =	sshll.u32 s26, $0x1;
	_ =	strace $0x80000046;
	[dreg:$0x1] =	wrdreg $0xFFFFFFFF  }
0xa8: {  	s28 =	simm.s32 $_size_execute0_lowered;
	s4 =	sadd.s32 s4, s6;
	[dreg:$0x0] =	wrdreg $0x0  }
0xa9: {  	s6 =	sshll.u32 s28, $0x1;
	[dreg:$0x2] =	wrdreg s4  }
0xaa: {  	[dreg:$0x3] =	wrdreg s6  }
0xab: {  	[dreg:$0x4] =	wrdreg $0xC0  }
0xac: {  	_ =	task [dreg:s8], $0x5FFFF  }
0xad: {  	[dreg:$0x1] =	wrdreg $0xFFFFFFFF  }
0xae: {  	[dreg:$0x0] =	wrdreg $0x60  }
0xaf: {  	[dreg:$0x2] =	wrdreg s24  }
0xb0: {  	[dreg:$0x3] =	wrdreg s2  }
0xb1: {  	[dreg:$0x4] =	wrdreg s18  }
0xb2: {  	[dreg:$0x5] =	wrdreg $0x9  }
0xb3: {  	_ =	task.clear_ibuf [dreg:s8], $0x6FFFF;
	_ =	strace $0x90000046  }
0xb4: {  	s29 =	simm.s32 $0x9;
	_ =	strace $0x80000048  }
0xb5: {  	_ =	swait.ge [sflag:s29], $0x1  }
0xb6: {  	[sflag:s29] =	ssyncadd.s32 $0xFFFFFFFF  }
0xb7: {  	_ =	strace $0x90000048  }
0xb8: {  	_ =	sfence  }
0xb9: {  	s30 =	sld [smem:$0x0];
	_ =	sdelay $0x2  }
0xba: {  	s31 =	sshll.u32 s1, $0xD;
	s1 =	sshrl.u32 s1, $0x2  }
0xbb: {  	s3 =	sand.u32 $0x4000, s31;
	s1 =	sadd.s32 s1, s30  }
0xbc: {  	s0 =	sor.u32 s3, s0;
	s1 =	sshll.u32 s1, $0x11  }
0xbd: {  	s0 =	sor.u32 s1, s0  }
0xbe: {  	s0 =	sadd.s32 $0x8F2B, s0  }
0xbf: {  	[sflag:s0] =	ssyncadd.remote.s32 $0x1  }
0xc0: {  	_ =	sfence.sel $0xFFFF  }
0xc1: {  	[dreg:$0x0] =	wrdreg $0xFFFFFFFF;
	(pc) =	sbr.abs _section_cstart, $3  }
0xc2: {  	[dreg:$0x1] =	wrdreg $0xFFFFFFFF  }
0xc3: {  	_ =	task.clear_ibuf [dreg:s8], $0x2FFFF;
	_ =	strace $0x9FFFFFFF  }
0xc4: {  	(tm) =	ssettm $0x7FFFFFFF  }
0xc5: {  	_ =	shalt  }
tec
execute0_lowered:
.L_overlay_start_1:
0x0: {  	(tag) =	ssettag $0x1  }
0x1: {  	s0 =	srdreg.scid;
	s7 =	rddreg [dreg:$0x0]  }
0x2: {  	s2 =	rddreg [dreg:$0x1];
	s6 =	sand.u32 $0x1, s0  }
0x3: {  	s28 =	stileid.u32;
	s3 =	rddreg [dreg:$0x2];
	s1 =	sshll.u32 s6, $0x4  }
0x4: {  	s9 =	simm.s32 $0x1;
	s8 =	sand.u32 $0x7, s28;
	s5 =	sor.u32 s28, s1  }
0x5: {  	s4 =	simm.s32 $0x0;
	p1 =	sne.s32 s8, $0x0;
	p0 =	seq.s32 s5, $0x0  }
0x6: {  	s25 =	simm.s32 $0x3A00;
	[smem:$0x7FF] =	sst s4;
	p0 =	por !p1, !p0  }
0x7: {  	_ =	strace $0x80000047;
	s6 =	ssub.s32 $0x2, s6;
	p0 =	por !p0, !p0  }
0x8: {  	s29 =	sshrl.u32 s6, $0x1;
	s5 =	sshrl.u32 s5, $0x3;
	s9 =	simm.s32 @!p0 $0x0  }
0x9: {  	s8 =	sshll.u32 s8, $0x8;
	s14 =	ssub.s32 s6, s29;
	s9 =	ssub.s32 s5, s9  }
0xa: {  	s14 =	smax.u32 s14, $0x1;
	s10 =	sshll.u32 s9, $0xB;
	s9 =	sshll.u32 s9, $0x4  }
0xb: {  	s5 =	simm.s32 $0x1;
	s8 =	sor.u32 s8, s10;
	s9 =	sand.u32 $0x1FFFFFF0, s9  }
0xc: {  	s10 =	sshrl.u32 s8, $0x3;
	s30 =	sor.u32 $0x10, s8;
	s31 =	sor.u32 $0x20, s8  }
0xd: {  	s11 =	sor.u32 $0x30, s8;
	s12 =	sor.u32 $0x40, s8;
	s13 =	sor.u32 $0x50, s8  }
0xe: {  	v0 =	vlaneseq.u32;
	s15 =	sor.u32 $0x60, s8;
	s16 =	sor.u32 $0x70, s8;
	s17 =	sor.u32 $0x80, s8  }
0xf: {  	v17 =	vimm.s32 $0x0;
	v18 =	vor.u32 $0x10, v0;
	v19 =	vor.u32 $0x20, v0;
	s18 =	sor.u32 $0x90, s8;
	s19 =	sor.u32 $0xA0, s8;
	s20 =	sor.u32 $0xB0, s8  }
0x10: {  	v20 =	vor.u32 $0x30, v0;
	v21 =	vor.u32 $0x40, v0;
	v22 =	vor.u32 $0x50, v0;
	s21 =	sor.u32 $0xC0, s8;
	s22 =	sor.u32 $0xD0, s8;
	s23 =	sor.u32 $0xE0, s8  }
0x11: {  	v23 =	vor.u32 $0x60, v0;
	v24 =	vor.u32 $0x70, v0;
	v1 =	vor.u32 s8, v0;
	s24 =	sor.u32 $0xF0, s8;
	s8 =	sadd.s32 $0x100, s2;
	s10 =	sadd.s32 s10, s7  }
.Ltmp0:
0x12: {  	s7 =	sadd.s32 s9, s7;
	v2 =	vor.u32 s30, v0;
	v3 =	vor.u32 s31, v0;
	v4 =	vor.u32 s11, v0;
	s9 =	sadd.s32 $0x200, s2;
	(pc) =	sbr.rel .LBB2_1-.Ltmp0, $4  }
0x13: {  	v5 =	vor.u32 s12, v0;
	v6 =	vor.u32 s13, v0;
	v7 =	vor.u32 s15, v0;
	s11 =	sadd.s32 $0x100, s3;
	s12 =	sadd.s32 $0x200, s3;
	s13 =	sadd.s32 $0x300, s3  }
0x14: {  	v8 =	vor.u32 s16, v0;
	v9 =	vor.u32 s17, v0;
	v13 =	vor.u32 s21, v0;
	s15 =	simm.s32 $0x2;
	s17 =	simm.s32 $0x180;
	s21 =	simm.s32 $0x1A00  }
0x15: {  	v14 =	vor.u32 s22, v0;
	v15 =	vor.u32 s23, v0;
	v16 =	vor.u32 s24, v0;
	s22 =	simm.s32 $0x2200;
	s23 =	simm.s32 $0x2A00;
	s24 =	simm.s32 $0x3200  }
0x16: {  	v10 =	vor.u32 s18, v0;
	v11 =	vor.u32 s19, v0;
	v12 =	vor.u32 s20, v0;
	s6 =	sadd.s32 $0xA00, s10;
	s7 =	sadd.s32 $0xE00, s7;
	s10 =	sadd.s32 $0x300, s2  }
.LBB2_3:
0x17: {  	s14 =	sadd.s32 $0xFFFFFFFF, s14  }
0x18: {  	p0 =	sne.s32 s14, $0x0  }
.Ltmp1:
0x19: {  	_ = 	snop;
	(pc) =	sbr.rel @!p0 .LBB2_4-.Ltmp1, $1  }
0x1a: {  	_ =	sdelay $0x3  }
.LBB2_1:
0x1b: {  	[tilespmem:s4], [sflag:$0x2] =	stream.linear.gather [hbm4b:s6+s4], $0x100, $0x38;
	[tilespmem:$0x4200] =	vst v63  }
0x1c: {  	_ =	swait.ge [sflag:s15], $0x100  }
0x1d: {  	[sflag:s15] =	ssyncset.done $0x0  }
0x1e: {  	s0 =	simm.s32 $0x100;
	[sflag:s15] =	ssyncadd.s32 $0xFFFFFF00  }
0x1f: {  	[tilespmem:s0], [sflag:$0x2] =	stream.linear.gather [hbm4b:s7+s4], $0x10, $0x38;
	[tilespmem:$0x4200] =	vst v63  }
0x20: {  	_ =	swait.ge [sflag:s15], $0x10  }
0x21: {  	[sflag:s15] =	ssyncset.done $0x0  }
0x22: {  	[sflag:s15] =	ssyncadd.s32 $0xFFFFFFF0  }
0x23: {  	v25 =	vld [tilespmem:$0x0]  }
0x24: {  	v26 =	vld [tilespmem:$0x100];
	_ =	sdelay $0x4  }
0x25: {  	vm0 =	vgt.f32 v25, v26  }
0x26: {  	v25 =	vsel vm0, $0x1, v17  }
0x27: {  	(xrf0) =	vadd.scan.msk.s32 $0xffff, v25;
	_ =	sdelay $0x5  }
0x28: {  	v26, _, _ =	vpop (xrf0)  }
0x29: {  	v25 =	vsub.s32 v26, v25;
	_ =	sdelay $0x4  }
0x2a: {  	[tilespmem:v25+s17+$0x0] =	vst.idx.msk vm0, v1  }
0x2b: {  	v25 =	vld [tilespmem:$0x10]  }
0x2c: {  	v26 =	vld [tilespmem:$0x100];
	_ =	sdelay $0x4  }
0x2d: {  	vm1 =	vgt.f32 v25, v26  }
0x2e: {  	v25 =	vsel vm1, $0x1, v17  }
0x2f: {  	(xrf0) =	vadd.scan.msk.s32 $0xffff, v25;
	_ =	sdelay $0x3  }
0x30: {  	v25 =	vmpcnt.ones.xlane vm0  }
0x31: {  	v26 =	vsel vm1, $0xFFFFFFFF, v17  }
0x32: {  	v26 =	vadd.s32 v26, v25;
	v27, _, _ =	vpop (xrf0)  }
0x33: {  	v26 =	vadd.s32 v27, v26;
	_ =	sdelay $0x4  }
0x34: {  	[tilespmem:v26+s17+$0x0] =	vst.idx.msk vm1, v2  }
0x35: {  	v26 =	vld [tilespmem:$0x20]  }
0x36: {  	v27 =	vld [tilespmem:$0x100];
	_ =	sdelay $0x4  }
0x37: {  	vm10 =	vgt.f32 v26, v27  }
0x38: {  	v26 =	vsel vm10, $0x1, v17  }
0x39: {  	(xrf0) =	vadd.scan.msk.s32 $0xffff, v26;
	_ =	sdelay $0x2  }
0x3a: {  	v26 =	vmpcnt.ones.xlane vm1;
	_ =	sdelay $0x1  }
0x3b: {  	v25 =	vadd.s32 v25, v26;
	v26 =	vsel vm10, $0xFFFFFFFF, v17  }
0x3c: {  	v26 =	vadd.s32 v26, v25;
	v27, _, _ =	vpop (xrf0)  }
0x3d: {  	v26 =	vadd.s32 v27, v26;
	_ =	sdelay $0x4  }
0x3e: {  	[tilespmem:v26+s17+$0x0] =	vst.idx.msk vm10, v3  }
0x3f: {  	v26 =	vld [tilespmem:$0x30]  }
0x40: {  	v27 =	vld [tilespmem:$0x100];
	_ =	sdelay $0x4  }
0x41: {  	vm11 =	vgt.f32 v26, v27  }
0x42: {  	v26 =	vsel vm11, $0x1, v17  }
0x43: {  	(xrf0) =	vadd.scan.msk.s32 $0xffff, v26;
	_ =	sdelay $0x2  }
0x44: {  	v26 =	vmpcnt.ones.xlane vm10;
	_ =	sdelay $0x1  }
0x45: {  	v25 =	vadd.s32 v25, v26;
	v26 =	vsel vm11, $0xFFFFFFFF, v17  }
0x46: {  	v26 =	vadd.s32 v26, v25;
	v27, _, _ =	vpop (xrf0)  }
0x47: {  	v26 =	vadd.s32 v27, v26;
	_ =	sdelay $0x4  }
0x48: {  	[tilespmem:v26+s17+$0x0] =	vst.idx.msk vm11, v4  }
0x49: {  	v26 =	vld [tilespmem:$0x40]  }
0x4a: {  	v27 =	vld [tilespmem:$0x100];
	_ =	sdelay $0x4  }
0x4b: {  	vm12 =	vgt.f32 v26, v27  }
0x4c: {  	v26 =	vsel vm12, $0x1, v17  }
0x4d: {  	(xrf0) =	vadd.scan.msk.s32 $0xffff, v26;
	_ =	sdelay $0x2  }
0x4e: {  	v26 =	vmpcnt.ones.xlane vm11;
	_ =	sdelay $0x1  }
0x4f: {  	v25 =	vadd.s32 v25, v26;
	v26 =	vsel vm12, $0xFFFFFFFF, v17  }
0x50: {  	v26 =	vadd.s32 v26, v25;
	v27, _, _ =	vpop (xrf0)  }
0x51: {  	v26 =	vadd.s32 v27, v26;
	_ =	sdelay $0x4  }
0x52: {  	[tilespmem:v26+s17+$0x0] =	vst.idx.msk vm12, v5  }
0x53: {  	v26 =	vld [tilespmem:$0x50]  }
0x54: {  	v27 =	vld [tilespmem:$0x100];
	_ =	sdelay $0x4  }
0x55: {  	vm13 =	vgt.f32 v26, v27  }
0x56: {  	v26 =	vsel vm13, $0x1, v17  }
0x57: {  	(xrf0) =	vadd.scan.msk.s32 $0xffff, v26;
	_ =	sdelay $0x2  }
0x58: {  	v26 =	vmpcnt.ones.xlane vm12;
	_ =	sdelay $0x1  }
0x59: {  	v25 =	vadd.s32 v25, v26;
	v26 =	vsel vm13, $0xFFFFFFFF, v17  }
0x5a: {  	v26 =	vadd.s32 v26, v25;
	v27, _, _ =	vpop (xrf0)  }
0x5b: {  	v26 =	vadd.s32 v27, v26;
	_ =	sdelay $0x4  }
0x5c: {  	[tilespmem:v26+s17+$0x0] =	vst.idx.msk vm13, v6  }
0x5d: {  	v26 =	vld [tilespmem:$0x60]  }
0x5e: {  	v27 =	vld [tilespmem:$0x100];
	_ =	sdelay $0x4  }
0x5f: {  	vm14 =	vgt.f32 v26, v27  }
0x60: {  	v26 =	vsel vm14, $0x1, v17  }
0x61: {  	(xrf0) =	vadd.scan.msk.s32 $0xffff, v26;
	_ =	sdelay $0x2  }
0x62: {  	v26 =	vmpcnt.ones.xlane vm13;
	_ =	sdelay $0x1  }
0x63: {  	v25 =	vadd.s32 v25, v26;
	v26 =	vsel vm14, $0xFFFFFFFF, v17  }
0x64: {  	v26 =	vadd.s32 v26, v25;
	v27, _, _ =	vpop (xrf0)  }
0x65: {  	v26 =	vadd.s32 v27, v26;
	_ =	sdelay $0x4  }
0x66: {  	[tilespmem:v26+s17+$0x0] =	vst.idx.msk vm14, v7  }
0x67: {  	v26 =	vld [tilespmem:$0x70]  }
0x68: {  	v27 =	vld [tilespmem:$0x100];
	_ =	sdelay $0x4  }
0x69: {  	vm15 =	vgt.f32 v26, v27  }
0x6a: {  	v26 =	vsel vm15, $0x1, v17  }
0x6b: {  	(xrf0) =	vadd.scan.msk.s32 $0xffff, v26;
	_ =	sdelay $0x2  }
0x6c: {  	v26 =	vmpcnt.ones.xlane vm14;
	_ =	sdelay $0x1  }
0x6d: {  	v25 =	vadd.s32 v25, v26;
	v26 =	vsel vm15, $0xFFFFFFFF, v17  }
0x6e: {  	v26 =	vadd.s32 v26, v25;
	v27, _, _ =	vpop (xrf0)  }
0x6f: {  	v26 =	vadd.s32 v27, v26;
	_ =	sdelay $0x4  }
0x70: {  	[tilespmem:v26+s17+$0x0] =	vst.idx.msk vm15, v8  }
0x71: {  	v26 =	vld [tilespmem:$0x80]  }
0x72: {  	v27 =	vld [tilespmem:$0x100];
	_ =	sdelay $0x4  }
0x73: {  	vm4 =	vgt.f32 v26, v27  }
0x74: {  	v26 =	vsel vm4, $0x1, v17  }
0x75: {  	(xrf0) =	vadd.scan.msk.s32 $0xffff, v26;
	_ =	sdelay $0x2  }
0x76: {  	v26 =	vmpcnt.ones.xlane vm15;
	_ =	sdelay $0x1  }
0x77: {  	v25 =	vadd.s32 v25, v26;
	v26 =	vsel vm4, $0xFFFFFFFF, v17  }
0x78: {  	v26 =	vadd.s32 v26, v25;
	v27, _, _ =	vpop (xrf0)  }
0x79: {  	v26 =	vadd.s32 v27, v26;
	_ =	sdelay $0x4  }
0x7a: {  	[tilespmem:v26+s17+$0x0] =	vst.idx.msk vm4, v9  }
0x7b: {  	v26 =	vld [tilespmem:$0x90]  }
0x7c: {  	v27 =	vld [tilespmem:$0x100];
	_ =	sdelay $0x4  }
0x7d: {  	vm5 =	vgt.f32 v26, v27  }
0x7e: {  	v26 =	vsel vm5, $0x1, v17  }
0x7f: {  	(xrf0) =	vadd.scan.msk.s32 $0xffff, v26;
	_ =	sdelay $0x2  }
0x80: {  	v26 =	vmpcnt.ones.xlane vm4;
	_ =	sdelay $0x1  }
0x81: {  	v25 =	vadd.s32 v25, v26;
	v26 =	vsel vm5, $0xFFFFFFFF, v17  }
0x82: {  	v26 =	vadd.s32 v26, v25;
	v27, _, _ =	vpop (xrf0)  }
0x83: {  	v26 =	vadd.s32 v27, v26;
	_ =	sdelay $0x4  }
0x84: {  	[tilespmem:v26+s17+$0x0] =	vst.idx.msk vm5, v10  }
0x85: {  	v26 =	vld [tilespmem:$0xA0]  }
0x86: {  	v27 =	vld [tilespmem:$0x100];
	_ =	sdelay $0x4  }
0x87: {  	vm6 =	vgt.f32 v26, v27  }
0x88: {  	v26 =	vsel vm6, $0x1, v17  }
0x89: {  	(xrf0) =	vadd.scan.msk.s32 $0xffff, v26;
	_ =	sdelay $0x2  }
0x8a: {  	v26 =	vmpcnt.ones.xlane vm5;
	_ =	sdelay $0x1  }
0x8b: {  	v25 =	vadd.s32 v25, v26;
	v26 =	vsel vm6, $0xFFFFFFFF, v17  }
0x8c: {  	v26 =	vadd.s32 v26, v25;
	v27, _, _ =	vpop (xrf0)  }
0x8d: {  	v26 =	vadd.s32 v27, v26;
	_ =	sdelay $0x4  }
0x8e: {  	[tilespmem:v26+s17+$0x0] =	vst.idx.msk vm6, v11  }
0x8f: {  	v26 =	vld [tilespmem:$0xB0]  }
0x90: {  	v27 =	vld [tilespmem:$0x100];
	_ =	sdelay $0x4  }
0x91: {  	vm7 =	vgt.f32 v26, v27  }
0x92: {  	v26 =	vsel vm7, $0x1, v17  }
0x93: {  	(xrf0) =	vadd.scan.msk.s32 $0xffff, v26;
	_ =	sdelay $0x2  }
0x94: {  	v26 =	vmpcnt.ones.xlane vm6;
	_ =	sdelay $0x1  }
0x95: {  	v25 =	vadd.s32 v25, v26;
	v26 =	vsel vm7, $0xFFFFFFFF, v17  }
0x96: {  	v26 =	vadd.s32 v26, v25;
	v27, _, _ =	vpop (xrf0)  }
0x97: {  	v26 =	vadd.s32 v27, v26;
	_ =	sdelay $0x4  }
0x98: {  	[tilespmem:v26+s17+$0x0] =	vst.idx.msk vm7, v12  }
0x99: {  	v26 =	vld [tilespmem:$0xC0]  }
0x9a: {  	v27 =	vld [tilespmem:$0x100];
	_ =	sdelay $0x4  }
0x9b: {  	vm8 =	vgt.f32 v26, v27  }
0x9c: {  	v26 =	vsel vm8, $0x1, v17  }
0x9d: {  	(xrf0) =	vadd.scan.msk.s32 $0xffff, v26;
	_ =	sdelay $0x2  }
0x9e: {  	v26 =	vmpcnt.ones.xlane vm7;
	_ =	sdelay $0x1  }
0x9f: {  	v25 =	vadd.s32 v25, v26;
	v26 =	vsel vm8, $0xFFFFFFFF, v17  }
0xa0: {  	v26 =	vadd.s32 v26, v25;
	v27, _, _ =	vpop (xrf0)  }
0xa1: {  	v26 =	vadd.s32 v27, v26;
	_ =	sdelay $0x4  }
0xa2: {  	[tilespmem:v26+s17+$0x0] =	vst.idx.msk vm8, v13  }
0xa3: {  	v26 =	vld [tilespmem:$0xD0]  }
0xa4: {  	v27 =	vld [tilespmem:$0x100];
	_ =	sdelay $0x4  }
0xa5: {  	vm9 =	vgt.f32 v26, v27  }
0xa6: {  	v26 =	vsel vm9, $0x1, v17  }
0xa7: {  	(xrf0) =	vadd.scan.msk.s32 $0xffff, v26;
	_ =	sdelay $0x2  }
0xa8: {  	v26 =	vmpcnt.ones.xlane vm8;
	_ =	sdelay $0x1  }
0xa9: {  	v25 =	vadd.s32 v25, v26;
	v26 =	vsel vm9, $0xFFFFFFFF, v17  }
0xaa: {  	v26 =	vadd.s32 v26, v25;
	v27, _, _ =	vpop (xrf0)  }
0xab: {  	v26 =	vadd.s32 v27, v26;
	_ =	sdelay $0x4  }
0xac: {  	[tilespmem:v26+s17+$0x0] =	vst.idx.msk vm9, v14  }
0xad: {  	v26 =	vld [tilespmem:$0xE0]  }
0xae: {  	v27 =	vld [tilespmem:$0x100];
	_ =	sdelay $0x4  }
0xaf: {  	vm10 =	vgt.f32 v26, v27  }
0xb0: {  	v26 =	vsel vm10, $0x1, v17  }
0xb1: {  	(xrf0) =	vadd.scan.msk.s32 $0xffff, v26;
	_ =	sdelay $0x2  }
0xb2: {  	v26 =	vmpcnt.ones.xlane vm9;
	_ =	sdelay $0x1  }
0xb3: {  	v25 =	vadd.s32 v25, v26;
	v26 =	vsel vm10, $0xFFFFFFFF, v17  }
0xb4: {  	v26 =	vadd.s32 v26, v25;
	v27, _, _ =	vpop (xrf0)  }
0xb5: {  	v26 =	vadd.s32 v27, v26;
	_ =	sdelay $0x4  }
0xb6: {  	[tilespmem:v26+s17+$0x0] =	vst.idx.msk vm10, v15  }
0xb7: {  	v26 =	vld [tilespmem:$0xF0]  }
0xb8: {  	v27 =	vld [tilespmem:$0x100];
	_ =	sdelay $0x4  }
0xb9: {  	vm11 =	vgt.f32 v26, v27  }
0xba: {  	v26 =	vsel vm11, $0x1, v17  }
0xbb: {  	(xrf0) =	vadd.scan.msk.s32 $0xffff, v26;
	_ =	sdelay $0x2  }
0xbc: {  	v26 =	vmpcnt.ones.xlane vm10;
	_ =	sdelay $0x1  }
0xbd: {  	v25 =	vadd.s32 v25, v26;
	v26 =	vsel vm11, $0xFFFFFFFF, v17  }
0xbe: {  	v26 =	vadd.s32 v26, v25;
	v27, _, _ =	vpop (xrf0)  }
0xbf: {  	v26 =	vadd.s32 v27, v26  }
0xc0: {  	v27 =	vmpcnt.ones.xlane vm11;
	_ =	sdelay $0x1  }
0xc1: {  	v25 =	vadd.s32 v25, v27  }
0xc2: {  	(v2sf) =	vpush v25, $0x0  }
0xc3: {  	[tilespmem:v26+s17+$0x0] =	vst.idx.msk vm11, v16  }
0xc4: {  	v27 =	vadd.s32 v0, v25;
	v26 =	vld [tilespmem:$0x180]  }
0xc5: {  	v28 =	vadd.s32 v18, v25;
	vm12 =	vlt.s32 v27, $0x80  }
0xc6: {  	v29 =	vadd.s32 v19, v25;
	vm13 =	vlt.s32 v28, $0x80  }
0xc7: {  	v30 =	vadd.s32 v20, v25;
	vm2 =	vlt.s32 v29, $0x80  }
0xc8: {  	v31 =	vadd.s32 v21, v25;
	vm3 =	vlt.s32 v30, $0x80  }
0xc9: {  	v32 =	vadd.s32 v22, v25;
	vm4 =	vlt.s32 v31, $0x80;
	v26 =	vperm.xlane v26, v17  }
0xca: {  	v33 =	vadd.s32 v23, v25;
	vm5 =	vlt.s32 v32, $0x80  }
0xcb: {  	v25 =	vadd.s32 v24, v25;
	vm14 =	vlt.s32 v33, $0x80;
	[tilespmem:v27+s17+$0x0] =	vst.idx.msk vm12, v26  }
0xcc: {  	vm15 =	vlt.s32 v25, $0x80;
	[tilespmem:v28+s17+$0x0] =	vst.idx.msk vm13, v26  }
0xcd: {  	[tilespmem:v29+s17+$0x0] =	vst.idx.msk vm2, v26  }
0xce: {  	[tilespmem:v30+s17+$0x0] =	vst.idx.msk vm3, v26  }
0xcf: {  	[tilespmem:v31+s17+$0x0] =	vst.idx.msk vm4, v26  }
0xd0: {  	[tilespmem:v32+s17+$0x0] =	vst.idx.msk vm5, v26  }
0xd1: {  	s26 =	spop (v2sf);
	[tilespmem:v33+s17+$0x0] =	vst.idx.msk vm14, v26  }
0xd2: {  	p0 =	slt.s32 s26, $0x1;
	[tilespmem:v25+s17+$0x0] =	vst.idx.msk vm15, v26  }
0xd3: {  	v25 =	vld @!p0 [tilespmem:$0x180];
	_ =	sdelay $0x4  }
0xd4: {  	v26 =	vshll.u32 @!p0 v25, $0x3  }
0xd5: {  	v27 =	vlaneseq.u32 @!p0;
	v25 =	vand.u32 @!p0 $0x7, v25;
	v26 =	vand.u32 @!p0 $0xFFFFFFC0, v26  }
0xd6: {  	v28 =	vshrl.u32 @!p0 v27, $0x3;
	v25 =	vor.u32 @!p0 v25, v26;
	v26 =	vand.u32 @!p0 $0x7, v27  }
0xd7: {  	v28 =	vmul.u32 @!p0 $0x8, v28;
	v26 =	vperm.xlane @!p0 v25, v26;
	_ =	sdelay $0x1  }
0xd8: {  	v26 =	vadd.s32 @!p0 v28, v26;
	_ =	sdelay $0x3  }
0xd9: {  	vm0 =	vmmov @!p0 $0xffff;
	s28 =	simm.s32 @!p0 $0x0;
	s29 =	simm.s32 @!p0 $0x200  }
0xda: {  	v27 =	vor.u32 @!p0 $0x8, v27;
	[tilespmem:s29], [sflag:$0x1] =	stream.indirect_vreg.gather @!p0 [hbm4b:s2+s28], $0x80, v26, vm0, $0xb8;
	[tilespmem:$0x4200] =	vst v63  }
0xdb: {  	s30 =	simm.s32 @!p0 $0xA00;
	v25 =	vperm.xlane @!p0 v25, v27  }
0xdc: {  	[tilespmem:s30], [sflag:$0x1] =	stream.indirect_vreg.gather @!p0 [hbm4b:s8+s28], $0x80, v26, vm0, $0xb8;
	[tilespmem:$0x4200] =	vst v63  }
0xdd: {  	s31 =	simm.s32 @!p0 $0x1200;
	v25 =	vadd.s32 @!p0 v28, v25  }
0xde: {  	[tilespmem:s31], [sflag:$0x1] =	stream.indirect_vreg.gather @!p0 [hbm4b:s9+s28], $0x80, v26, vm0, $0xb8;
	[tilespmem:$0x4200] =	vst v63  }
0xdf: {  	s1 =	simm.s32 @!p0 $0x1A00  }
0xe0: {  	[tilespmem:s1], [sflag:$0x1] =	stream.indirect_vreg.gather @!p0 [hbm4b:s10+s28], $0x80, v26, vm0, $0xb8;
	[tilespmem:$0x4200] =	vst v63  }
0xe1: {  	s0 =	simm.s32 @!p0 $0x2200  }
0xe2: {  	[tilespmem:s0], [sflag:$0x1] =	stream.indirect_vreg.gather @!p0 [hbm4b:s2+s28], $0x80, v25, vm0, $0xb8;
	[tilespmem:$0x4200] =	vst v63  }
0xe3: {  	s16 =	simm.s32 @!p0 $0x2A00  }
0xe4: {  	[tilespmem:s16], [sflag:$0x1] =	stream.indirect_vreg.gather @!p0 [hbm4b:s8+s28], $0x80, v25, vm0, $0xb8;
	[tilespmem:$0x4200] =	vst v63  }
0xe5: {  	s18 =	simm.s32 @!p0 $0x3200  }
0xe6: {  	[tilespmem:s18], [sflag:$0x1] =	stream.indirect_vreg.gather @!p0 [hbm4b:s9+s28], $0x80, v25, vm0, $0xb8;
	[tilespmem:$0x4200] =	vst v63  }
0xe7: {  	s19 =	simm.s32 @!p0 $0x3A00;
	s20 =	simm.s32 @!p0 $0x1  }
0xe8: {  	[tilespmem:s19], [sflag:$0x1] =	stream.indirect_vreg.gather @!p0 [hbm4b:s10+s28], $0x80, v25, vm0, $0xb8;
	[tilespmem:$0x4200] =	vst v63  }
0xe9: {  	_ =	swait.ge @!p0 [sflag:s20], $0x4000  }
0xea: {  	[sflag:s20] =	ssyncset.done @!p0 $0x0  }
0xeb: {  	[sflag:s20] =	ssyncadd.s32 @!p0 $0xFFFFC000  }
0xec: {  	[hbm4b:s3+s28] =	stream.indirect_vreg.scatter @!p0 [tilespmem:s29], [sflag:$0x1], $0x80, v26, vm0, $0xb8;
	[tilespmem:$0x4200] =	vst v63  }
0xed: {  	_ = 	snop  }
0xee: {  	[hbm4b:s11+s28] =	stream.indirect_vreg.scatter @!p0 [tilespmem:s30], [sflag:$0x1], $0x80, v26, vm0, $0xb8;
	[tilespmem:$0x4200] =	vst v63  }
0xef: {  	_ = 	snop  }
0xf0: {  	[hbm4b:s12+s28] =	stream.indirect_vreg.scatter @!p0 [tilespmem:s31], [sflag:$0x1], $0x80, v26, vm0, $0xb8;
	[tilespmem:$0x4200] =	vst v63  }
0xf1: {  	_ = 	snop  }
0xf2: {  	[hbm4b:s13+s28] =	stream.indirect_vreg.scatter @!p0 [tilespmem:s1], [sflag:$0x1], $0x80, v26, vm0, $0xb8;
	[tilespmem:$0x4200] =	vst v63  }
0xf3: {  	_ = 	snop  }
0xf4: {  	[hbm4b:s3+s28] =	stream.indirect_vreg.scatter @!p0 [tilespmem:s0], [sflag:$0x1], $0x80, v25, vm0, $0xb8;
	[tilespmem:$0x4200] =	vst v63  }
0xf5: {  	_ = 	snop  }
0xf6: {  	[hbm4b:s11+s28] =	stream.indirect_vreg.scatter @!p0 [tilespmem:s16], [sflag:$0x1], $0x80, v25, vm0, $0xb8;
	[tilespmem:$0x4200] =	vst v63  }
0xf7: {  	_ = 	snop  }
0xf8: {  	[hbm4b:s12+s28] =	stream.indirect_vreg.scatter @!p0 [tilespmem:s18], [sflag:$0x1], $0x80, v25, vm0, $0xb8;
	[tilespmem:$0x4200] =	vst v63  }
0xf9: {  	_ = 	snop  }
0xfa: {  	[hbm4b:s13+s28] =	stream.indirect_vreg.scatter @!p0 [tilespmem:s19], [sflag:$0x1], $0x80, v25, vm0, $0xb8;
	[tilespmem:$0x4200] =	vst v63  }
0xfb: {  	_ =	swait.ge @!p0 [sflag:s20], $0x4000  }
0xfc: {  	p1 =	slt.u32 @!p0 s26, $0x11;
	[sflag:s20] =	ssyncset.done @!p0 $0x0  }
0xfd: {  	[sflag:s20] =	ssyncadd.s32 @!p0 $0xFFFFC000;
	p0 =	por p0, p1  }
0xfe: {  	v25 =	vld @!p0 [tilespmem:$0x190];
	_ =	sdelay $0x4  }
0xff: {  	v26 =	vshll.u32 @!p0 v25, $0x3  }
0x100: {  	v27 =	vlaneseq.u32 @!p0;
	v25 =	vand.u32 @!p0 $0x7, v25;
	v26 =	vand.u32 @!p0 $0xFFFFFFC0, v26  }
0x101: {  	v28 =	vshrl.u32 @!p0 v27, $0x3;
	v25 =	vor.u32 @!p0 v25, v26;
	v26 =	vand.u32 @!p0 $0x7, v27  }
0x102: {  	v28 =	vmul.u32 @!p0 $0x8, v28;
	v26 =	vperm.xlane @!p0 v25, v26;
	_ =	sdelay $0x1  }
0x103: {  	v26 =	vadd.s32 @!p0 v28, v26;
	_ =	sdelay $0x3  }
0x104: {  	vm0 =	vmmov @!p0 $0xffff;
	s0 =	simm.s32 @!p0 $0x0;
	s1 =	simm.s32 @!p0 $0x200  }
0x105: {  	v27 =	vor.u32 @!p0 $0x8, v27;
	[tilespmem:s1], [sflag:$0x1] =	stream.indirect_vreg.gather @!p0 [hbm4b:s2+s0], $0x80, v26, vm0, $0xb8;
	[tilespmem:$0x4200] =	vst v63  }
0x106: {  	s16 =	simm.s32 @!p0 $0xA00;
	v25 =	vperm.xlane @!p0 v25, v27  }
0x107: {  	[tilespmem:s16], [sflag:$0x1] =	stream.indirect_vreg.gather @!p0 [hbm4b:s8+s0], $0x80, v26, vm0, $0xb8;
	[tilespmem:$0x4200] =	vst v63  }
0x108: {  	s18 =	simm.s32 @!p0 $0x1200;
	v25 =	vadd.s32 @!p0 v28, v25  }
0x109: {  	[tilespmem:s18], [sflag:$0x1] =	stream.indirect_vreg.gather @!p0 [hbm4b:s9+s0], $0x80, v26, vm0, $0xb8;
	[tilespmem:$0x4200] =	vst v63  }
0x10a: {  	s19 =	simm.s32 @!p0 $0x1A00  }
0x10b: {  	[tilespmem:s19], [sflag:$0x1] =	stream.indirect_vreg.gather @!p0 [hbm4b:s10+s0], $0x80, v26, vm0, $0xb8;
	[tilespmem:$0x4200] =	vst v63  }
0x10c: {  	s20 =	simm.s32 @!p0 $0x2200  }
0x10d: {  	[tilespmem:s20], [sflag:$0x1] =	stream.indirect_vreg.gather @!p0 [hbm4b:s2+s0], $0x80, v25, vm0, $0xb8;
	[tilespmem:$0x4200] =	vst v63  }
0x10e: {  	s28 =	simm.s32 @!p0 $0x2A00  }
0x10f: {  	[tilespmem:s28], [sflag:$0x1] =	stream.indirect_vreg.gather @!p0 [hbm4b:s8+s0], $0x80, v25, vm0, $0xb8;
	[tilespmem:$0x4200] =	vst v63  }
0x110: {  	s29 =	simm.s32 @!p0 $0x3200  }
0x111: {  	[tilespmem:s29], [sflag:$0x1] =	stream.indirect_vreg.gather @!p0 [hbm4b:s9+s0], $0x80, v25, vm0, $0xb8;
	[tilespmem:$0x4200] =	vst v63  }
0x112: {  	s30 =	simm.s32 @!p0 $0x3A00;
	s31 =	simm.s32 @!p0 $0x1  }
0x113: {  	[tilespmem:s30], [sflag:$0x1] =	stream.indirect_vreg.gather @!p0 [hbm4b:s10+s0], $0x80, v25, vm0, $0xb8;
	[tilespmem:$0x4200] =	vst v63  }
0x114: {  	_ =	swait.ge @!p0 [sflag:s31], $0x4000  }
0x115: {  	[sflag:s31] =	ssyncset.done @!p0 $0x0  }
0x116: {  	[sflag:s31] =	ssyncadd.s32 @!p0 $0xFFFFC000  }
0x117: {  	[hbm4b:s3+s0] =	stream.indirect_vreg.scatter @!p0 [tilespmem:s1], [sflag:$0x1], $0x80, v26, vm0, $0xb8;
	[tilespmem:$0x4200] =	vst v63  }
0x118: {  	_ = 	snop  }
0x119: {  	[hbm4b:s11+s0] =	stream.indirect_vreg.scatter @!p0 [tilespmem:s16], [sflag:$0x1], $0x80, v26, vm0, $0xb8;
	[tilespmem:$0x4200] =	vst v63  }
0x11a: {  	_ = 	snop  }
0x11b: {  	[hbm4b:s12+s0] =	stream.indirect_vreg.scatter @!p0 [tilespmem:s18], [sflag:$0x1], $0x80, v26, vm0, $0xb8;
	[tilespmem:$0x4200] =	vst v63  }
0x11c: {  	_ = 	snop  }
0x11d: {  	[hbm4b:s13+s0] =	stream.indirect_vreg.scatter @!p0 [tilespmem:s19], [sflag:$0x1], $0x80, v26, vm0, $0xb8;
	[tilespmem:$0x4200] =	vst v63  }
0x11e: {  	_ = 	snop  }
0x11f: {  	[hbm4b:s3+s0] =	stream.indirect_vreg.scatter @!p0 [tilespmem:s20], [sflag:$0x1], $0x80, v25, vm0, $0xb8;
	[tilespmem:$0x4200] =	vst v63  }
0x120: {  	_ = 	snop  }
0x121: {  	[hbm4b:s11+s0] =	stream.indirect_vreg.scatter @!p0 [tilespmem:s28], [sflag:$0x1], $0x80, v25, vm0, $0xb8;
	[tilespmem:$0x4200] =	vst v63  }
0x122: {  	_ = 	snop  }
0x123: {  	[hbm4b:s12+s0] =	stream.indirect_vreg.scatter @!p0 [tilespmem:s29], [sflag:$0x1], $0x80, v25, vm0, $0xb8;
	[tilespmem:$0x4200] =	vst v63  }
0x124: {  	_ = 	snop  }
0x125: {  	[hbm4b:s13+s0] =	stream.indirect_vreg.scatter @!p0 [tilespmem:s30], [sflag:$0x1], $0x80, v25, vm0, $0xb8;
	[tilespmem:$0x4200] =	vst v63  }
0x126: {  	_ =	swait.ge @!p0 [sflag:s31], $0x4000  }
0x127: {  	p1 =	slt.u32 @!p0 s26, $0x21;
	[sflag:s31] =	ssyncset.done @!p0 $0x0  }
0x128: {  	[sflag:s31] =	ssyncadd.s32 @!p0 $0xFFFFC000;
	p0 =	por p0, p1  }
0x129: {  	v25 =	vld @!p0 [tilespmem:$0x1A0];
	_ =	sdelay $0x4  }
0x12a: {  	v26 =	vshll.u32 @!p0 v25, $0x3  }
0x12b: {  	v27 =	vlaneseq.u32 @!p0;
	v25 =	vand.u32 @!p0 $0x7, v25;
	v26 =	vand.u32 @!p0 $0xFFFFFFC0, v26  }
0x12c: {  	v28 =	vshrl.u32 @!p0 v27, $0x3;
	v25 =	vor.u32 @!p0 v25, v26;
	v26 =	vand.u32 @!p0 $0x7, v27  }
0x12d: {  	v28 =	vmul.u32 @!p0 $0x8, v28;
	v26 =	vperm.xlane @!p0 v25, v26;
	_ =	sdelay $0x1  }
0x12e: {  	v26 =	vadd.s32 @!p0 v28, v26;
	_ =	sdelay $0x3  }
0x12f: {  	vm0 =	vmmov @!p0 $0xffff;
	s0 =	simm.s32 @!p0 $0x0;
	s1 =	simm.s32 @!p0 $0x200  }
0x130: {  	v27 =	vor.u32 @!p0 $0x8, v27;
	[tilespmem:s1], [sflag:$0x1] =	stream.indirect_vreg.gather @!p0 [hbm4b:s2+s0], $0x80, v26, vm0, $0xb8;
	[tilespmem:$0x4200] =	vst v63  }
0x131: {  	s16 =	simm.s32 @!p0 $0xA00;
	v25 =	vperm.xlane @!p0 v25, v27  }
0x132: {  	[tilespmem:s16], [sflag:$0x1] =	stream.indirect_vreg.gather @!p0 [hbm4b:s8+s0], $0x80, v26, vm0, $0xb8;
	[tilespmem:$0x4200] =	vst v63  }
0x133: {  	s18 =	simm.s32 @!p0 $0x1200;
	v25 =	vadd.s32 @!p0 v28, v25  }
0x134: {  	[tilespmem:s18], [sflag:$0x1] =	stream.indirect_vreg.gather @!p0 [hbm4b:s9+s0], $0x80, v26, vm0, $0xb8;
	[tilespmem:$0x4200] =	vst v63  }
0x135: {  	s19 =	simm.s32 @!p0 $0x1A00  }
0x136: {  	[tilespmem:s19], [sflag:$0x1] =	stream.indirect_vreg.gather @!p0 [hbm4b:s10+s0], $0x80, v26, vm0, $0xb8;
	[tilespmem:$0x4200] =	vst v63  }
0x137: {  	s20 =	simm.s32 @!p0 $0x2200  }
0x138: {  	[tilespmem:s20], [sflag:$0x1] =	stream.indirect_vreg.gather @!p0 [hbm4b:s2+s0], $0x80, v25, vm0, $0xb8;
	[tilespmem:$0x4200] =	vst v63  }
0x139: {  	s28 =	simm.s32 @!p0 $0x2A00  }
0x13a: {  	[tilespmem:s28], [sflag:$0x1] =	stream.indirect_vreg.gather @!p0 [hbm4b:s8+s0], $0x80, v25, vm0, $0xb8;
	[tilespmem:$0x4200] =	vst v63  }
0x13b: {  	s29 =	simm.s32 @!p0 $0x3200  }
0x13c: {  	[tilespmem:s29], [sflag:$0x1] =	stream.indirect_vreg.gather @!p0 [hbm4b:s9+s0], $0x80, v25, vm0, $0xb8;
	[tilespmem:$0x4200] =	vst v63  }
0x13d: {  	s30 =	simm.s32 @!p0 $0x3A00;
	s31 =	simm.s32 @!p0 $0x1  }
0x13e: {  	[tilespmem:s30], [sflag:$0x1] =	stream.indirect_vreg.gather @!p0 [hbm4b:s10+s0], $0x80, v25, vm0, $0xb8;
	[tilespmem:$0x4200] =	vst v63  }
0x13f: {  	_ =	swait.ge @!p0 [sflag:s31], $0x4000  }
0x140: {  	[sflag:s31] =	ssyncset.done @!p0 $0x0  }
0x141: {  	[sflag:s31] =	ssyncadd.s32 @!p0 $0xFFFFC000  }
0x142: {  	[hbm4b:s3+s0] =	stream.indirect_vreg.scatter @!p0 [tilespmem:s1], [sflag:$0x1], $0x80, v26, vm0, $0xb8;
	[tilespmem:$0x4200] =	vst v63  }
0x143: {  	_ = 	snop  }
0x144: {  	[hbm4b:s11+s0] =	stream.indirect_vreg.scatter @!p0 [tilespmem:s16], [sflag:$0x1], $0x80, v26, vm0, $0xb8;
	[tilespmem:$0x4200] =	vst v63  }
0x145: {  	_ = 	snop  }
0x146: {  	[hbm4b:s12+s0] =	stream.indirect_vreg.scatter @!p0 [tilespmem:s18], [sflag:$0x1], $0x80, v26, vm0, $0xb8;
	[tilespmem:$0x4200] =	vst v63  }
0x147: {  	_ = 	snop  }
0x148: {  	[hbm4b:s13+s0] =	stream.indirect_vreg.scatter @!p0 [tilespmem:s19], [sflag:$0x1], $0x80, v26, vm0, $0xb8;
	[tilespmem:$0x4200] =	vst v63  }
0x149: {  	_ = 	snop  }
0x14a: {  	[hbm4b:s3+s0] =	stream.indirect_vreg.scatter @!p0 [tilespmem:s20], [sflag:$0x1], $0x80, v25, vm0, $0xb8;
	[tilespmem:$0x4200] =	vst v63  }
0x14b: {  	_ = 	snop  }
0x14c: {  	[hbm4b:s11+s0] =	stream.indirect_vreg.scatter @!p0 [tilespmem:s28], [sflag:$0x1], $0x80, v25, vm0, $0xb8;
	[tilespmem:$0x4200] =	vst v63  }
0x14d: {  	_ = 	snop  }
0x14e: {  	[hbm4b:s12+s0] =	stream.indirect_vreg.scatter @!p0 [tilespmem:s29], [sflag:$0x1], $0x80, v25, vm0, $0xb8;
	[tilespmem:$0x4200] =	vst v63  }
0x14f: {  	_ = 	snop  }
0x150: {  	[hbm4b:s13+s0] =	stream.indirect_vreg.scatter @!p0 [tilespmem:s30], [sflag:$0x1], $0x80, v25, vm0, $0xb8;
	[tilespmem:$0x4200] =	vst v63  }
0x151: {  	_ =	swait.ge @!p0 [sflag:s31], $0x4000  }
0x152: {  	p1 =	slt.u32 @!p0 s26, $0x31;
	[sflag:s31] =	ssyncset.done @!p0 $0x0  }
0x153: {  	[sflag:s31] =	ssyncadd.s32 @!p0 $0xFFFFC000;
	p0 =	por p0, p1  }
0x154: {  	v25 =	vld @!p0 [tilespmem:$0x1B0];
	_ =	sdelay $0x4  }
0x155: {  	v26 =	vshll.u32 @!p0 v25, $0x3  }
0x156: {  	v27 =	vlaneseq.u32 @!p0;
	v25 =	vand.u32 @!p0 $0x7, v25;
	v26 =	vand.u32 @!p0 $0xFFFFFFC0, v26  }
0x157: {  	v28 =	vshrl.u32 @!p0 v27, $0x3;
	v25 =	vor.u32 @!p0 v25, v26;
	v26 =	vand.u32 @!p0 $0x7, v27  }
0x158: {  	v28 =	vmul.u32 @!p0 $0x8, v28;
	v26 =	vperm.xlane @!p0 v25, v26;
	_ =	sdelay $0x1  }
0x159: {  	v26 =	vadd.s32 @!p0 v28, v26;
	_ =	sdelay $0x3  }
0x15a: {  	vm0 =	vmmov @!p0 $0xffff;
	s0 =	simm.s32 @!p0 $0x0;
	s1 =	simm.s32 @!p0 $0x200  }
0x15b: {  	v27 =	vor.u32 @!p0 $0x8, v27;
	[tilespmem:s1], [sflag:$0x1] =	stream.indirect_vreg.gather @!p0 [hbm4b:s2+s0], $0x80, v26, vm0, $0xb8;
	[tilespmem:$0x4200] =	vst v63  }
0x15c: {  	s16 =	simm.s32 @!p0 $0xA00;
	v25 =	vperm.xlane @!p0 v25, v27  }
0x15d: {  	[tilespmem:s16], [sflag:$0x1] =	stream.indirect_vreg.gather @!p0 [hbm4b:s8+s0], $0x80, v26, vm0, $0xb8;
	[tilespmem:$0x4200] =	vst v63  }
0x15e: {  	s18 =	simm.s32 @!p0 $0x1200;
	v25 =	vadd.s32 @!p0 v28, v25  }
0x15f: {  	[tilespmem:s18], [sflag:$0x1] =	stream.indirect_vreg.gather @!p0 [hbm4b:s9+s0], $0x80, v26, vm0, $0xb8;
	[tilespmem:$0x4200] =	vst v63  }
0x160: {  	s19 =	simm.s32 @!p0 $0x1A00  }
0x161: {  	[tilespmem:s19], [sflag:$0x1] =	stream.indirect_vreg.gather @!p0 [hbm4b:s10+s0], $0x80, v26, vm0, $0xb8;
	[tilespmem:$0x4200] =	vst v63  }
0x162: {  	s20 =	simm.s32 @!p0 $0x2200  }
0x163: {  	[tilespmem:s20], [sflag:$0x1] =	stream.indirect_vreg.gather @!p0 [hbm4b:s2+s0], $0x80, v25, vm0, $0xb8;
	[tilespmem:$0x4200] =	vst v63  }
0x164: {  	s28 =	simm.s32 @!p0 $0x2A00  }
0x165: {  	[tilespmem:s28], [sflag:$0x1] =	stream.indirect_vreg.gather @!p0 [hbm4b:s8+s0], $0x80, v25, vm0, $0xb8;
	[tilespmem:$0x4200] =	vst v63  }
0x166: {  	s29 =	simm.s32 @!p0 $0x3200  }
0x167: {  	[tilespmem:s29], [sflag:$0x1] =	stream.indirect_vreg.gather @!p0 [hbm4b:s9+s0], $0x80, v25, vm0, $0xb8;
	[tilespmem:$0x4200] =	vst v63  }
0x168: {  	s30 =	simm.s32 @!p0 $0x3A00;
	s31 =	simm.s32 @!p0 $0x1  }
0x169: {  	[tilespmem:s30], [sflag:$0x1] =	stream.indirect_vreg.gather @!p0 [hbm4b:s10+s0], $0x80, v25, vm0, $0xb8;
	[tilespmem:$0x4200] =	vst v63  }
0x16a: {  	_ =	swait.ge @!p0 [sflag:s31], $0x4000  }
0x16b: {  	[sflag:s31] =	ssyncset.done @!p0 $0x0  }
0x16c: {  	[sflag:s31] =	ssyncadd.s32 @!p0 $0xFFFFC000  }
0x16d: {  	[hbm4b:s3+s0] =	stream.indirect_vreg.scatter @!p0 [tilespmem:s1], [sflag:$0x1], $0x80, v26, vm0, $0xb8;
	[tilespmem:$0x4200] =	vst v63  }
0x16e: {  	_ = 	snop  }
0x16f: {  	[hbm4b:s11+s0] =	stream.indirect_vreg.scatter @!p0 [tilespmem:s16], [sflag:$0x1], $0x80, v26, vm0, $0xb8;
	[tilespmem:$0x4200] =	vst v63  }
0x170: {  	_ = 	snop  }
0x171: {  	[hbm4b:s12+s0] =	stream.indirect_vreg.scatter @!p0 [tilespmem:s18], [sflag:$0x1], $0x80, v26, vm0, $0xb8;
	[tilespmem:$0x4200] =	vst v63  }
0x172: {  	_ = 	snop  }
0x173: {  	[hbm4b:s13+s0] =	stream.indirect_vreg.scatter @!p0 [tilespmem:s19], [sflag:$0x1], $0x80, v26, vm0, $0xb8;
	[tilespmem:$0x4200] =	vst v63  }
0x174: {  	_ = 	snop  }
0x175: {  	[hbm4b:s3+s0] =	stream.indirect_vreg.scatter @!p0 [tilespmem:s20], [sflag:$0x1], $0x80, v25, vm0, $0xb8;
	[tilespmem:$0x4200] =	vst v63  }
0x176: {  	_ = 	snop  }
0x177: {  	[hbm4b:s11+s0] =	stream.indirect_vreg.scatter @!p0 [tilespmem:s28], [sflag:$0x1], $0x80, v25, vm0, $0xb8;
	[tilespmem:$0x4200] =	vst v63  }
0x178: {  	_ = 	snop  }
0x179: {  	[hbm4b:s12+s0] =	stream.indirect_vreg.scatter @!p0 [tilespmem:s29], [sflag:$0x1], $0x80, v25, vm0, $0xb8;
	[tilespmem:$0x4200] =	vst v63  }
0x17a: {  	_ = 	snop  }
0x17b: {  	[hbm4b:s13+s0] =	stream.indirect_vreg.scatter @!p0 [tilespmem:s30], [sflag:$0x1], $0x80, v25, vm0, $0xb8;
	[tilespmem:$0x4200] =	vst v63  }
0x17c: {  	_ =	swait.ge @!p0 [sflag:s31], $0x4000  }
0x17d: {  	p1 =	slt.u32 @!p0 s26, $0x41;
	[sflag:s31] =	ssyncset.done @!p0 $0x0  }
0x17e: {  	[sflag:s31] =	ssyncadd.s32 @!p0 $0xFFFFC000;
	p0 =	por p0, p1  }
0x17f: {  	v25 =	vld @!p0 [tilespmem:$0x1C0];
	_ =	sdelay $0x4  }
0x180: {  	v26 =	vshll.u32 @!p0 v25, $0x3  }
0x181: {  	v27 =	vlaneseq.u32 @!p0;
	v25 =	vand.u32 @!p0 $0x7, v25;
	v26 =	vand.u32 @!p0 $0xFFFFFFC0, v26  }
0x182: {  	v28 =	vshrl.u32 @!p0 v27, $0x3;
	v25 =	vor.u32 @!p0 v25, v26;
	v26 =	vand.u32 @!p0 $0x7, v27  }
0x183: {  	v28 =	vmul.u32 @!p0 $0x8, v28;
	v26 =	vperm.xlane @!p0 v25, v26;
	_ =	sdelay $0x1  }
0x184: {  	v26 =	vadd.s32 @!p0 v28, v26;
	_ =	sdelay $0x3  }
0x185: {  	vm0 =	vmmov @!p0 $0xffff;
	s0 =	simm.s32 @!p0 $0x0;
	s1 =	simm.s32 @!p0 $0x200  }
0x186: {  	v27 =	vor.u32 @!p0 $0x8, v27;
	[tilespmem:s1], [sflag:$0x1] =	stream.indirect_vreg.gather @!p0 [hbm4b:s2+s0], $0x80, v26, vm0, $0xb8;
	[tilespmem:$0x4200] =	vst v63  }
0x187: {  	s16 =	simm.s32 @!p0 $0xA00;
	v25 =	vperm.xlane @!p0 v25, v27  }
0x188: {  	[tilespmem:s16], [sflag:$0x1] =	stream.indirect_vreg.gather @!p0 [hbm4b:s8+s0], $0x80, v26, vm0, $0xb8;
	[tilespmem:$0x4200] =	vst v63  }
0x189: {  	s18 =	simm.s32 @!p0 $0x1200;
	v25 =	vadd.s32 @!p0 v28, v25  }
0x18a: {  	[tilespmem:s18], [sflag:$0x1] =	stream.indirect_vreg.gather @!p0 [hbm4b:s9+s0], $0x80, v26, vm0, $0xb8;
	[tilespmem:$0x4200] =	vst v63  }
0x18b: {  	s19 =	simm.s32 @!p0 $0x1A00  }
0x18c: {  	[tilespmem:s19], [sflag:$0x1] =	stream.indirect_vreg.gather @!p0 [hbm4b:s10+s0], $0x80, v26, vm0, $0xb8;
	[tilespmem:$0x4200] =	vst v63  }
0x18d: {  	s20 =	simm.s32 @!p0 $0x2200  }
0x18e: {  	[tilespmem:s20], [sflag:$0x1] =	stream.indirect_vreg.gather @!p0 [hbm4b:s2+s0], $0x80, v25, vm0, $0xb8;
	[tilespmem:$0x4200] =	vst v63  }
0x18f: {  	s28 =	simm.s32 @!p0 $0x2A00  }
0x190: {  	[tilespmem:s28], [sflag:$0x1] =	stream.indirect_vreg.gather @!p0 [hbm4b:s8+s0], $0x80, v25, vm0, $0xb8;
	[tilespmem:$0x4200] =	vst v63  }
0x191: {  	s29 =	simm.s32 @!p0 $0x3200  }
0x192: {  	[tilespmem:s29], [sflag:$0x1] =	stream.indirect_vreg.gather @!p0 [hbm4b:s9+s0], $0x80, v25, vm0, $0xb8;
	[tilespmem:$0x4200] =	vst v63  }
0x193: {  	s30 =	simm.s32 @!p0 $0x3A00;
	s31 =	simm.s32 @!p0 $0x1  }
0x194: {  	[tilespmem:s30], [sflag:$0x1] =	stream.indirect_vreg.gather @!p0 [hbm4b:s10+s0], $0x80, v25, vm0, $0xb8;
	[tilespmem:$0x4200] =	vst v63  }
0x195: {  	_ =	swait.ge @!p0 [sflag:s31], $0x4000  }
0x196: {  	[sflag:s31] =	ssyncset.done @!p0 $0x0  }
0x197: {  	[sflag:s31] =	ssyncadd.s32 @!p0 $0xFFFFC000  }
0x198: {  	[hbm4b:s3+s0] =	stream.indirect_vreg.scatter @!p0 [tilespmem:s1], [sflag:$0x1], $0x80, v26, vm0, $0xb8;
	[tilespmem:$0x4200] =	vst v63  }
0x199: {  	_ = 	snop  }
0x19a: {  	[hbm4b:s11+s0] =	stream.indirect_vreg.scatter @!p0 [tilespmem:s16], [sflag:$0x1], $0x80, v26, vm0, $0xb8;
	[tilespmem:$0x4200] =	vst v63  }
0x19b: {  	_ = 	snop  }
0x19c: {  	[hbm4b:s12+s0] =	stream.indirect_vreg.scatter @!p0 [tilespmem:s18], [sflag:$0x1], $0x80, v26, vm0, $0xb8;
	[tilespmem:$0x4200] =	vst v63  }
0x19d: {  	_ = 	snop  }
0x19e: {  	[hbm4b:s13+s0] =	stream.indirect_vreg.scatter @!p0 [tilespmem:s19], [sflag:$0x1], $0x80, v26, vm0, $0xb8;
	[tilespmem:$0x4200] =	vst v63  }
0x19f: {  	_ = 	snop  }
0x1a0: {  	[hbm4b:s3+s0] =	stream.indirect_vreg.scatter @!p0 [tilespmem:s20], [sflag:$0x1], $0x80, v25, vm0, $0xb8;
	[tilespmem:$0x4200] =	vst v63  }
0x1a1: {  	_ = 	snop  }
0x1a2: {  	[hbm4b:s11+s0] =	stream.indirect_vreg.scatter @!p0 [tilespmem:s28], [sflag:$0x1], $0x80, v25, vm0, $0xb8;
	[tilespmem:$0x4200] =	vst v63  }
0x1a3: {  	_ = 	snop  }
0x1a4: {  	[hbm4b:s12+s0] =	stream.indirect_vreg.scatter @!p0 [tilespmem:s29], [sflag:$0x1], $0x80, v25, vm0, $0xb8;
	[tilespmem:$0x4200] =	vst v63  }
0x1a5: {  	_ = 	snop  }
0x1a6: {  	[hbm4b:s13+s0] =	stream.indirect_vreg.scatter @!p0 [tilespmem:s30], [sflag:$0x1], $0x80, v25, vm0, $0xb8;
	[tilespmem:$0x4200] =	vst v63  }
0x1a7: {  	_ =	swait.ge @!p0 [sflag:s31], $0x4000  }
0x1a8: {  	p1 =	slt.u32 @!p0 s26, $0x51;
	[sflag:s31] =	ssyncset.done @!p0 $0x0  }
0x1a9: {  	[sflag:s31] =	ssyncadd.s32 @!p0 $0xFFFFC000;
	p0 =	por p0, p1  }
0x1aa: {  	v25 =	vld @!p0 [tilespmem:$0x1D0];
	_ =	sdelay $0x4  }
0x1ab: {  	v26 =	vshll.u32 @!p0 v25, $0x3  }
0x1ac: {  	v27 =	vlaneseq.u32 @!p0;
	v25 =	vand.u32 @!p0 $0x7, v25;
	v26 =	vand.u32 @!p0 $0xFFFFFFC0, v26  }
0x1ad: {  	v28 =	vshrl.u32 @!p0 v27, $0x3;
	v25 =	vor.u32 @!p0 v25, v26;
	v26 =	vand.u32 @!p0 $0x7, v27  }
0x1ae: {  	v28 =	vmul.u32 @!p0 $0x8, v28;
	v26 =	vperm.xlane @!p0 v25, v26;
	_ =	sdelay $0x1  }
0x1af: {  	v26 =	vadd.s32 @!p0 v28, v26;
	_ =	sdelay $0x3  }
0x1b0: {  	vm0 =	vmmov @!p0 $0xffff;
	s0 =	simm.s32 @!p0 $0x0;
	s1 =	simm.s32 @!p0 $0x200  }
0x1b1: {  	v27 =	vor.u32 @!p0 $0x8, v27;
	[tilespmem:s1], [sflag:$0x1] =	stream.indirect_vreg.gather @!p0 [hbm4b:s2+s0], $0x80, v26, vm0, $0xb8;
	[tilespmem:$0x4200] =	vst v63  }
0x1b2: {  	s16 =	simm.s32 @!p0 $0xA00;
	v25 =	vperm.xlane @!p0 v25, v27  }
0x1b3: {  	[tilespmem:s16], [sflag:$0x1] =	stream.indirect_vreg.gather @!p0 [hbm4b:s8+s0], $0x80, v26, vm0, $0xb8;
	[tilespmem:$0x4200] =	vst v63  }
0x1b4: {  	s18 =	simm.s32 @!p0 $0x1200;
	v25 =	vadd.s32 @!p0 v28, v25  }
0x1b5: {  	[tilespmem:s18], [sflag:$0x1] =	stream.indirect_vreg.gather @!p0 [hbm4b:s9+s0], $0x80, v26, vm0, $0xb8;
	[tilespmem:$0x4200] =	vst v63  }
0x1b6: {  	s19 =	simm.s32 @!p0 $0x1A00  }
0x1b7: {  	[tilespmem:s19], [sflag:$0x1] =	stream.indirect_vreg.gather @!p0 [hbm4b:s10+s0], $0x80, v26, vm0, $0xb8;
	[tilespmem:$0x4200] =	vst v63  }
0x1b8: {  	s20 =	simm.s32 @!p0 $0x2200  }
0x1b9: {  	[tilespmem:s20], [sflag:$0x1] =	stream.indirect_vreg.gather @!p0 [hbm4b:s2+s0], $0x80, v25, vm0, $0xb8;
	[tilespmem:$0x4200] =	vst v63  }
0x1ba: {  	s28 =	simm.s32 @!p0 $0x2A00  }
0x1bb: {  	[tilespmem:s28], [sflag:$0x1] =	stream.indirect_vreg.gather @!p0 [hbm4b:s8+s0], $0x80, v25, vm0, $0xb8;
	[tilespmem:$0x4200] =	vst v63  }
0x1bc: {  	s29 =	simm.s32 @!p0 $0x3200  }
0x1bd: {  	[tilespmem:s29], [sflag:$0x1] =	stream.indirect_vreg.gather @!p0 [hbm4b:s9+s0], $0x80, v25, vm0, $0xb8;
	[tilespmem:$0x4200] =	vst v63  }
0x1be: {  	s30 =	simm.s32 @!p0 $0x3A00;
	s31 =	simm.s32 @!p0 $0x1  }
0x1bf: {  	[tilespmem:s30], [sflag:$0x1] =	stream.indirect_vreg.gather @!p0 [hbm4b:s10+s0], $0x80, v25, vm0, $0xb8;
	[tilespmem:$0x4200] =	vst v63  }
0x1c0: {  	_ =	swait.ge @!p0 [sflag:s31], $0x4000  }
0x1c1: {  	[sflag:s31] =	ssyncset.done @!p0 $0x0  }
0x1c2: {  	[sflag:s31] =	ssyncadd.s32 @!p0 $0xFFFFC000  }
0x1c3: {  	[hbm4b:s3+s0] =	stream.indirect_vreg.scatter @!p0 [tilespmem:s1], [sflag:$0x1], $0x80, v26, vm0, $0xb8;
	[tilespmem:$0x4200] =	vst v63  }
0x1c4: {  	_ = 	snop  }
0x1c5: {  	[hbm4b:s11+s0] =	stream.indirect_vreg.scatter @!p0 [tilespmem:s16], [sflag:$0x1], $0x80, v26, vm0, $0xb8;
	[tilespmem:$0x4200] =	vst v63  }
0x1c6: {  	_ = 	snop  }
0x1c7: {  	[hbm4b:s12+s0] =	stream.indirect_vreg.scatter @!p0 [tilespmem:s18], [sflag:$0x1], $0x80, v26, vm0, $0xb8;
	[tilespmem:$0x4200] =	vst v63  }
0x1c8: {  	_ = 	snop  }
0x1c9: {  	[hbm4b:s13+s0] =	stream.indirect_vreg.scatter @!p0 [tilespmem:s19], [sflag:$0x1], $0x80, v26, vm0, $0xb8;
	[tilespmem:$0x4200] =	vst v63  }
0x1ca: {  	_ = 	snop  }
0x1cb: {  	[hbm4b:s3+s0] =	stream.indirect_vreg.scatter @!p0 [tilespmem:s20], [sflag:$0x1], $0x80, v25, vm0, $0xb8;
	[tilespmem:$0x4200] =	vst v63  }
0x1cc: {  	p1 =	slt.u32 @!p0 s26, $0x61  }
0x1cd: {  	[hbm4b:s11+s0] =	stream.indirect_vreg.scatter @!p0 [tilespmem:s28], [sflag:$0x1], $0x80, v25, vm0, $0xb8;
	[tilespmem:$0x4200] =	vst v63  }
0x1ce: {  	p1 =	por p0, p1  }
0x1cf: {  	[hbm4b:s12+s0] =	stream.indirect_vreg.scatter @!p0 [tilespmem:s29], [sflag:$0x1], $0x80, v25, vm0, $0xb8;
	[tilespmem:$0x4200] =	vst v63  }
.Ltmp2:
0x1d0: {  	_ = 	snop;
	(pc) =	sbr.rel @p1 .LBB2_3-.Ltmp2, $4  }
0x1d1: {  	[hbm4b:s13+s0] =	stream.indirect_vreg.scatter @!p0 [tilespmem:s30], [sflag:$0x1], $0x80, v25, vm0, $0xb8;
	[tilespmem:$0x4200] =	vst v63  }
0x1d2: {  	_ =	swait.ge @!p0 [sflag:s31], $0x4000  }
0x1d3: {  	[sflag:s31] =	ssyncset.done @!p0 $0x0  }
0x1d4: {  	[sflag:s31] =	ssyncadd.s32 @!p0 $0xFFFFC000  }
0x1d5: {  	v25 =	vld [tilespmem:$0x1E0];
	_ =	sdelay $0x4  }
0x1d6: {  	v26 =	vshll.u32 v25, $0x3  }
0x1d7: {  	v25 =	vand.u32 $0x7, v25;
	v26 =	vand.u32 $0xFFFFFFC0, v26  }
0x1d8: {  	v27 =	vshrl.u32 v0, $0x3;
	v25 =	vor.u32 v25, v26;
	v26 =	vand.u32 $0x7, v0  }
0x1d9: {  	v27 =	vmul.u32 $0x8, v27;
	v26 =	vperm.xlane v25, v26;
	_ =	sdelay $0x1  }
0x1da: {  	v26 =	vadd.s32 v27, v26;
	_ =	sdelay $0x3  }
0x1db: {  	vm0 =	vmmov $0xffff;
	s0 =	simm.s32 $0x200  }
0x1dc: {  	v28 =	vor.u32 $0x8, v0;
	[tilespmem:s0], [sflag:$0x1] =	stream.indirect_vreg.gather [hbm4b:s2+s4], $0x80, v26, vm0, $0xb8;
	[tilespmem:$0x4200] =	vst v63  }
0x1dd: {  	s1 =	simm.s32 $0xA00;
	v25 =	vperm.xlane v25, v28  }
0x1de: {  	[tilespmem:s1], [sflag:$0x1] =	stream.indirect_vreg.gather [hbm4b:s8+s4], $0x80, v26, vm0, $0xb8;
	[tilespmem:$0x4200] =	vst v63  }
0x1df: {  	s16 =	simm.s32 $0x1200;
	v25 =	vadd.s32 v27, v25  }
0x1e0: {  	[tilespmem:s16], [sflag:$0x1] =	stream.indirect_vreg.gather [hbm4b:s9+s4], $0x80, v26, vm0, $0xb8;
	[tilespmem:$0x4200] =	vst v63  }
0x1e1: {  	_ = 	snop  }
0x1e2: {  	[tilespmem:s21], [sflag:$0x1] =	stream.indirect_vreg.gather [hbm4b:s10+s4], $0x80, v26, vm0, $0xb8;
	[tilespmem:$0x4200] =	vst v63  }
0x1e3: {  	_ = 	snop  }
0x1e4: {  	[tilespmem:s22], [sflag:$0x1] =	stream.indirect_vreg.gather [hbm4b:s2+s4], $0x80, v25, vm0, $0xb8;
	[tilespmem:$0x4200] =	vst v63  }
0x1e5: {  	_ = 	snop  }
0x1e6: {  	[tilespmem:s23], [sflag:$0x1] =	stream.indirect_vreg.gather [hbm4b:s8+s4], $0x80, v25, vm0, $0xb8;
	[tilespmem:$0x4200] =	vst v63  }
0x1e7: {  	_ = 	snop  }
0x1e8: {  	[tilespmem:s24], [sflag:$0x1] =	stream.indirect_vreg.gather [hbm4b:s9+s4], $0x80, v25, vm0, $0xb8;
	[tilespmem:$0x4200] =	vst v63  }
0x1e9: {  	_ = 	snop  }
0x1ea: {  	[tilespmem:s25], [sflag:$0x1] =	stream.indirect_vreg.gather [hbm4b:s10+s4], $0x80, v25, vm0, $0xb8;
	[tilespmem:$0x4200] =	vst v63  }
0x1eb: {  	_ =	swait.ge [sflag:s5], $0x4000  }
0x1ec: {  	[sflag:s5] =	ssyncset.done $0x0  }
0x1ed: {  	[sflag:s5] =	ssyncadd.s32 $0xFFFFC000  }
0x1ee: {  	[hbm4b:s3+s4] =	stream.indirect_vreg.scatter [tilespmem:s0], [sflag:$0x1], $0x80, v26, vm0, $0xb8;
	[tilespmem:$0x4200] =	vst v63  }
0x1ef: {  	_ = 	snop  }
0x1f0: {  	[hbm4b:s11+s4] =	stream.indirect_vreg.scatter [tilespmem:s1], [sflag:$0x1], $0x80, v26, vm0, $0xb8;
	[tilespmem:$0x4200] =	vst v63  }
0x1f1: {  	_ = 	snop  }
0x1f2: {  	[hbm4b:s12+s4] =	stream.indirect_vreg.scatter [tilespmem:s16], [sflag:$0x1], $0x80, v26, vm0, $0xb8;
	[tilespmem:$0x4200] =	vst v63  }
0x1f3: {  	_ = 	snop  }
0x1f4: {  	[hbm4b:s13+s4] =	stream.indirect_vreg.scatter [tilespmem:s21], [sflag:$0x1], $0x80, v26, vm0, $0xb8;
	[tilespmem:$0x4200] =	vst v63  }
0x1f5: {  	_ = 	snop  }
0x1f6: {  	[hbm4b:s3+s4] =	stream.indirect_vreg.scatter [tilespmem:s22], [sflag:$0x1], $0x80, v25, vm0, $0xb8;
	[tilespmem:$0x4200] =	vst v63  }
0x1f7: {  	_ = 	snop  }
0x1f8: {  	[hbm4b:s11+s4] =	stream.indirect_vreg.scatter [tilespmem:s23], [sflag:$0x1], $0x80, v25, vm0, $0xb8;
	[tilespmem:$0x4200] =	vst v63  }
0x1f9: {  	_ = 	snop  }
0x1fa: {  	[hbm4b:s12+s4] =	stream.indirect_vreg.scatter [tilespmem:s24], [sflag:$0x1], $0x80, v25, vm0, $0xb8;
	[tilespmem:$0x4200] =	vst v63  }
0x1fb: {  	_ = 	snop  }
0x1fc: {  	[hbm4b:s13+s4] =	stream.indirect_vreg.scatter [tilespmem:s25], [sflag:$0x1], $0x80, v25, vm0, $0xb8;
	[tilespmem:$0x4200] =	vst v63  }
0x1fd: {  	_ =	swait.ge [sflag:s5], $0x4000  }
0x1fe: {  	[sflag:s5] =	ssyncset.done $0x0  }
0x1ff: {  	p0 =	slt.u32 s26, $0x71;
	[sflag:s5] =	ssyncadd.s32 $0xFFFFC000  }
0x200: {  	v25 =	vld @!p0 [tilespmem:$0x1F0];
	_ =	sdelay $0x4  }
0x201: {  	v26 =	vshll.u32 @!p0 v25, $0x3  }
0x202: {  	v27 =	vlaneseq.u32 @!p0;
	v25 =	vand.u32 @!p0 $0x7, v25;
	v26 =	vand.u32 @!p0 $0xFFFFFFC0, v26  }
0x203: {  	v28 =	vshrl.u32 @!p0 v27, $0x3;
	v25 =	vor.u32 @!p0 v25, v26;
	v26 =	vand.u32 @!p0 $0x7, v27  }
0x204: {  	v28 =	vmul.u32 @!p0 $0x8, v28;
	v26 =	vperm.xlane @!p0 v25, v26;
	_ =	sdelay $0x1  }
0x205: {  	v26 =	vadd.s32 @!p0 v28, v26;
	_ =	sdelay $0x3  }
0x206: {  	s0 =	simm.s32 @!p0 $0x0;
	s1 =	simm.s32 @!p0 $0x200;
	vm0 =	vmmov @!p0 $0xffff  }
0x207: {  	v27 =	vor.u32 @!p0 $0x8, v27;
	[tilespmem:s1], [sflag:$0x1] =	stream.indirect_vreg.gather @!p0 [hbm4b:s2+s0], $0x80, v26, vm0, $0xb8;
	[tilespmem:$0x4200] =	vst v63  }
0x208: {  	s16 =	simm.s32 @!p0 $0xA00;
	v25 =	vperm.xlane @!p0 v25, v27  }
0x209: {  	[tilespmem:s16], [sflag:$0x1] =	stream.indirect_vreg.gather @!p0 [hbm4b:s8+s0], $0x80, v26, vm0, $0xb8;
	[tilespmem:$0x4200] =	vst v63  }
0x20a: {  	s18 =	simm.s32 @!p0 $0x1200;
	v25 =	vadd.s32 @!p0 v28, v25  }
0x20b: {  	[tilespmem:s18], [sflag:$0x1] =	stream.indirect_vreg.gather @!p0 [hbm4b:s9+s0], $0x80, v26, vm0, $0xb8;
	[tilespmem:$0x4200] =	vst v63  }
0x20c: {  	s19 =	simm.s32 @!p0 $0x1A00  }
0x20d: {  	[tilespmem:s19], [sflag:$0x1] =	stream.indirect_vreg.gather @!p0 [hbm4b:s10+s0], $0x80, v26, vm0, $0xb8;
	[tilespmem:$0x4200] =	vst v63  }
0x20e: {  	s20 =	simm.s32 @!p0 $0x2200  }
0x20f: {  	[tilespmem:s20], [sflag:$0x1] =	stream.indirect_vreg.gather @!p0 [hbm4b:s2+s0], $0x80, v25, vm0, $0xb8;
	[tilespmem:$0x4200] =	vst v63  }
0x210: {  	s26 =	simm.s32 @!p0 $0x2A00  }
0x211: {  	[tilespmem:s26], [sflag:$0x1] =	stream.indirect_vreg.gather @!p0 [hbm4b:s8+s0], $0x80, v25, vm0, $0xb8;
	[tilespmem:$0x4200] =	vst v63  }
0x212: {  	s28 =	simm.s32 @!p0 $0x3200  }
0x213: {  	[tilespmem:s28], [sflag:$0x1] =	stream.indirect_vreg.gather @!p0 [hbm4b:s9+s0], $0x80, v25, vm0, $0xb8;
	[tilespmem:$0x4200] =	vst v63  }
0x214: {  	s29 =	simm.s32 @!p0 $0x3A00;
	s30 =	simm.s32 @!p0 $0x1  }
0x215: {  	[tilespmem:s29], [sflag:$0x1] =	stream.indirect_vreg.gather @!p0 [hbm4b:s10+s0], $0x80, v25, vm0, $0xb8;
	[tilespmem:$0x4200] =	vst v63  }
0x216: {  	_ =	swait.ge @!p0 [sflag:s30], $0x4000  }
0x217: {  	[sflag:s30] =	ssyncset.done @!p0 $0x0  }
0x218: {  	[sflag:s30] =	ssyncadd.s32 @!p0 $0xFFFFC000  }
0x219: {  	[hbm4b:s3+s0] =	stream.indirect_vreg.scatter @!p0 [tilespmem:s1], [sflag:$0x1], $0x80, v26, vm0, $0xb8;
	[tilespmem:$0x4200] =	vst v63  }
0x21a: {  	_ = 	snop  }
0x21b: {  	[hbm4b:s11+s0] =	stream.indirect_vreg.scatter @!p0 [tilespmem:s16], [sflag:$0x1], $0x80, v26, vm0, $0xb8;
	[tilespmem:$0x4200] =	vst v63  }
0x21c: {  	_ = 	snop  }
0x21d: {  	[hbm4b:s12+s0] =	stream.indirect_vreg.scatter @!p0 [tilespmem:s18], [sflag:$0x1], $0x80, v26, vm0, $0xb8;
	[tilespmem:$0x4200] =	vst v63  }
0x21e: {  	_ = 	snop  }
0x21f: {  	[hbm4b:s13+s0] =	stream.indirect_vreg.scatter @!p0 [tilespmem:s19], [sflag:$0x1], $0x80, v26, vm0, $0xb8;
	[tilespmem:$0x4200] =	vst v63  }
0x220: {  	_ = 	snop  }
0x221: {  	[hbm4b:s3+s0] =	stream.indirect_vreg.scatter @!p0 [tilespmem:s20], [sflag:$0x1], $0x80, v25, vm0, $0xb8;
	[tilespmem:$0x4200] =	vst v63  }
0x222: {  	_ = 	snop  }
0x223: {  	[hbm4b:s11+s0] =	stream.indirect_vreg.scatter @!p0 [tilespmem:s26], [sflag:$0x1], $0x80, v25, vm0, $0xb8;
	[tilespmem:$0x4200] =	vst v63  }
0x224: {  	_ = 	snop  }
0x225: {  	[hbm4b:s12+s0] =	stream.indirect_vreg.scatter @!p0 [tilespmem:s28], [sflag:$0x1], $0x80, v25, vm0, $0xb8;
	[tilespmem:$0x4200] =	vst v63  }
.Ltmp3:
0x226: {  	_ = 	snop;
	(pc) =	sbr.rel .LBB2_3-.Ltmp3, $4  }
0x227: {  	[hbm4b:s13+s0] =	stream.indirect_vreg.scatter @!p0 [tilespmem:s29], [sflag:$0x1], $0x80, v25, vm0, $0xb8;
	[tilespmem:$0x4200] =	vst v63  }
0x228: {  	_ =	swait.ge @!p0 [sflag:s30], $0x4000  }
0x229: {  	[sflag:s30] =	ssyncset.done @!p0 $0x0  }
0x22a: {  	[sflag:s30] =	ssyncadd.s32 @!p0 $0xFFFFC000  }
.LBB2_4:
0x22b: {  	_ =	sfence.sel $0x180000  }
0x22c: {  	[bflag:$0x0] =	sbarrier.arrive $0xFFFF  }
0x22d: {  	_ =	strace $0x90000047  }
0x22e: {  	s0 =	stileid.u32;
	[bflag:$0x2] =	sbarrier.arrive $0xFFFF  }
0x22f: {  	p0 =	sne.s32 s0, $0x0;
	s0 =	rddreg [dreg:$0x3]  }
0x230: {  	s0 =	sadd.s32 @!p0 $0x100000, s0  }
0x231: {  	[sflag:s0] =	ssyncadd.tile.s32 @!p0 $0x1;
	_ =	shalt  }
.Lfunc_end2:
_tile_overlayer_lowered:
.L_overlay_start_2:
0x232: {  	(tag) =	ssettag $0x2  }
0x233: {  	s0 =	rddreg [dreg:$0x0];
	s2 =	stileid.u32  }
0x234: {  	s1 =	rddreg [dreg:$0x1];
	p0 =	sne.s32 s2, $0x0  }
0x235: {  	s3 =	rddreg [dreg:$0x2];
	[bflag:$0x3] =	sbarrier.arrive $0xFFFF;
	s2 =	simm.s32 @!p0 $0x1C02  }
0x236: {  	[timem:s3], [sflag:s2] =	dma.local @!p0 [hbm:s0], s1  }
0x237: {  	s0 =	simm.s32 @!p0 $0x2  }
0x238: {  	_ =	swait.ge @!p0 [sflag:s0], s1  }
0x239: {  	s1 =	ssub.s32 @!p0 $0x0, s1;
	[sflag:s0] =	ssyncset.done @!p0 $0x0  }
0x23a: {  	[sflag:s0] =	ssyncadd.s32 @!p0 s1  }
0x23b: {  	[bflag:$0x3] =	sbarrier.arrive $0xFFFF  }
0x23c: {  	_ =	shalt  }

</sc_bundles>
